<compile_context>
chip_gen: v7x
topology: tpu7x:2x2x1
jax: 0.10.2.dev20260603
libtpu: 0.0.44.dev20260713+nightly
codegen_flags: <defaults>
</compile_context>

<pallas_src>
import functools

import jax
import jax.numpy as jnp
from jax import lax
from jax.experimental import pallas as pl
from jax.experimental.pallas import tpu as pltpu
from jax.experimental.pallas import tpu_sc as plsc

_N = 10000
_D = 128
_E = 320000
_G = 64
_NC = 2
_NS = 16
_EDGES_PER_TILE = _E // (_NC * _NS)
_CHUNK = 80
_NCHUNKS = _EDGES_PER_TILE // _CHUNK
_BCHUNKS = 25
_NBLOCKS = _NCHUNKS // _BCHUNKS
_NPAD = 10240
_ROWS_PER_TILE = _NPAD // _NS


def _sc_agg_body(h_hbm, src_hbm, dst_hbm, zeros_hbm, out_hbm,
                 src_t, dst_t, rows0, rows1, rows2, acc_sh,
                 g0, g1, g2, w0, w1, w2):
  cid = lax.axis_index("c")
  sid = lax.axis_index("s")
  wid = cid * _NS + sid
  row0 = sid * _ROWS_PER_TILE
  rows = (rows0, rows1, rows2)
  gsem = (g0, g1, g2)
  wsem = (w0, w1, w2)
  pltpu.sync_copy(zeros_hbm, acc_sh.at[pl.ds(row0, _ROWS_PER_TILE)])
  plsc.subcore_barrier()

  @pl.loop(0, _NBLOCKS)
  def _(b):
    pltpu.sync_copy(src_hbm.at[wid, b], src_t)
    pltpu.sync_copy(dst_hbm.at[wid, b], dst_t)
    pltpu.async_copy(h_hbm.at[src_t.at[0]], rows[0], gsem[0])
    pltpu.async_copy(h_hbm.at[src_t.at[1]], rows[1], gsem[1])

    @pl.loop(0, _BCHUNKS - 4, step=3)
    def _(mb):
      for kk in range(3):
        m = mb + kk
        k2 = (kk + 2) % 3
        pltpu.make_async_copy(h_hbm.at[src_t.at[m]], rows[kk],
                              gsem[kk]).wait()
        pltpu.async_copy(rows[kk], acc_sh.at[dst_t.at[m]], wsem[kk],
                         add=True)

        @pl.when(m >= 1)
        def _():
          pltpu.make_async_copy(rows[k2], acc_sh.at[dst_t.at[m - 1]],
                                wsem[k2]).wait()

        pltpu.async_copy(h_hbm.at[src_t.at[m + 2]], rows[k2], gsem[k2])

    for m in range(_BCHUNKS - 4, _BCHUNKS):
      kk = m % 3
      k2 = (kk + 2) % 3
      pltpu.make_async_copy(h_hbm.at[src_t.at[m]], rows[kk],
                            gsem[kk]).wait()
      pltpu.async_copy(rows[kk], acc_sh.at[dst_t.at[m]], wsem[kk],
                       add=True)
      pltpu.make_async_copy(rows[k2], acc_sh.at[dst_t.at[m - 1]],
                            wsem[k2]).wait()
      if m + 2 < _BCHUNKS:
        pltpu.async_copy(h_hbm.at[src_t.at[m + 2]], rows[k2], gsem[k2])
    pltpu.make_async_copy(rows[(_BCHUNKS - 1) % 3],
                          acc_sh.at[dst_t.at[_BCHUNKS - 1]],
                          wsem[(_BCHUNKS - 1) % 3]).wait()

  plsc.subcore_barrier()
  pltpu.sync_copy(acc_sh.at[pl.ds(row0, _ROWS_PER_TILE)],
                  out_hbm.at[cid, pl.ds(row0, _ROWS_PER_TILE)])


@jax.jit
def _sc_agg(h, src, dst, zeros):
  mesh = plsc.VectorSubcoreMesh(core_axis_name="c", subcore_axis_name="s")
  k = pl.kernel(
      _sc_agg_body,
      out_type=jax.ShapeDtypeStruct((_NC, _NPAD, _D), jnp.float32),
      mesh=mesh,
      scratch_types=[
          pltpu.VMEM((_BCHUNKS, _CHUNK), jnp.int32),
          pltpu.VMEM((_BCHUNKS, _CHUNK), jnp.int32),
          pltpu.VMEM((_CHUNK, _D), jnp.float32),
          pltpu.VMEM((_CHUNK, _D), jnp.float32),
          pltpu.VMEM((_CHUNK, _D), jnp.float32),
          pltpu.VMEM_SHARED((_NPAD, _D), jnp.float32),
          pltpu.SemaphoreType.DMA,
          pltpu.SemaphoreType.DMA,
          pltpu.SemaphoreType.DMA,
          pltpu.SemaphoreType.DMA,
          pltpu.SemaphoreType.DMA,
          pltpu.SemaphoreType.DMA,
      ],
  )
  nt = _NC * _NS
  return k(h, src.reshape(nt, _NBLOCKS, _BCHUNKS, _CHUNK),
           dst.reshape(nt, _NBLOCKS, _BCHUNKS, _CHUNK), zeros)


def _tc_mlp_body(h_ref, p_ref, scale_ref, w1_ref, b1_ref, w2_ref, b2_ref,
                 out_ref):
  h = h_ref[...]
  z = h * scale_ref[...] + p_ref[0, :_N, :] + p_ref[1, :_N, :]
  a = jnp.dot(z, w1_ref[...], preferred_element_type=jnp.float32,
              precision=lax.Precision.DEFAULT) + b1_ref[...]
  a = jnp.maximum(a, 0.0)
  z2 = jnp.dot(a, w2_ref[...], preferred_element_type=jnp.float32,
               precision=lax.Precision.DEFAULT) + b2_ref[...]
  out_ref[...] = jnp.maximum(z2, 0.0) + h


@jax.jit
def _tc_mlp(h, partials, scale_row, w1, b1r, w2, b2r):
  return pl.pallas_call(
      _tc_mlp_body,
      out_shape=jax.ShapeDtypeStruct((_N, _D), jnp.float32),
  )(h, partials, scale_row, w1, b1r, w2, b2r)


def _tc_head_body(h_ref, batch_ref, gf_ref, wh1a_ref, wh1b_ref, bh1_ref,
                  wh2r_ref, bh2_ref, out_ref):
  ids = lax.broadcasted_iota(jnp.int32, (_G, _N), 0)
  oh = (ids == batch_ref[...]).astype(jnp.float32)
  sums = jnp.dot(oh, h_ref[...], preferred_element_type=jnp.float32,
                 precision=lax.Precision.HIGHEST)
  counts = jnp.sum(oh, axis=1, keepdims=True)
  mean = sums / jnp.maximum(counts, 1.0)
  hid = (jnp.dot(mean, wh1a_ref[...], preferred_element_type=jnp.float32,
                 precision=lax.Precision.DEFAULT)
         + jnp.dot(gf_ref[...], wh1b_ref[...],
                   preferred_element_type=jnp.float32,
                   precision=lax.Precision.DEFAULT)
         + bh1_ref[...])
  hid = jnp.maximum(hid, 0.0)
  out_ref[...] = jnp.sum(hid * wh2r_ref[...], axis=1,
                         keepdims=True) + bh2_ref[...]


@jax.jit
def _tc_head(h, batch_row, gf, wh1a, wh1b, bh1r, wh2r, bh2r):
  return pl.pallas_call(
      _tc_head_body,
      out_shape=jax.ShapeDtypeStruct((_G, 1), jnp.float32),
  )(h, batch_row, gf, wh1a, wh1b, bh1r, wh2r, bh2r)


def kernel(x, global_feats, params, edge_index, batch):
  src = edge_index[0]
  dst = edge_index[1]
  zeros = jnp.zeros((_ROWS_PER_TILE, _D), jnp.float32)
  h = x
  for (eps, w1, b1, w2, b2) in params["convs"]:
    partials = _sc_agg(h, src, dst, zeros)
    scale_row = jnp.full((1, _D), 1.0, jnp.float32) * (1.0 + eps)
    h = _tc_mlp(h, partials, scale_row, w1, b1.reshape(1, _D), w2,
                b2.reshape(1, _D))
  wh1, bh1, wh2, bh2 = params["head"]
  logits2d = _tc_head(h, batch.reshape(1, _N), global_feats,
                      wh1[:_D], wh1[_D:], bh1.reshape(1, _D),
                      wh2.reshape(1, _D), bh2.reshape(1, 1))
  return logits2d.reshape(_G)

# --- scband reference (transcript-rebuilt; emitter-appended) ---
"""Pipeline reference for scband-gnneval-7129645711376 (READ-ONLY COPY).

The authoritative reference and input builder live on the scoring server;
editing this copy changes nothing except your own understanding.
"""

import jax, jax.numpy as jnp
import numpy as np

N = 10000
E = 320000
D_NODE = 128
HIDDEN = 128
N_LAYERS = 4
N_GRAPHS = 64
D_GLOBAL = 16


def _linear_params(key, d_in, d_out):
    k1, k2 = jax.random.split(key)
    W = 0.1 * jax.random.normal(k1, (d_in, d_out), dtype=jnp.float32)
    b = 0.1 * jax.random.normal(k2, (d_out,), dtype=jnp.float32)
    return W, b


def setup_inputs(seed: int = 0) -> dict:
    key = jax.random.key(seed)
    ks = jax.random.split(key, 8)
    x = jax.random.normal(ks[0], (N, D_NODE), dtype=jnp.float32)
    edge_index = jax.random.randint(ks[1], (2, E), 0, N, dtype=jnp.int32)
    batch = jnp.sort(jax.random.randint(ks[2], (N,), 0, N_GRAPHS, dtype=jnp.int32))
    global_feats = jax.random.normal(ks[3], (N_GRAPHS, D_GLOBAL), dtype=jnp.float32)
    dims = [D_NODE] + [HIDDEN] * N_LAYERS
    convs = []
    for i in range(N_LAYERS):
        kk = jax.random.fold_in(ks[4], i)
        ka, kb, kc = jax.random.split(kk, 3)
        eps = 0.1 * jax.random.normal(ka, (), dtype=jnp.float32)
        W1, b1 = _linear_params(kb, dims[i], dims[i + 1])
        W2, b2 = _linear_params(kc, dims[i + 1], dims[i + 1])
        convs.append((eps, W1, b1, W2, b2))
    kh1, kh2 = jax.random.split(ks[5])
    Wh1, bh1 = _linear_params(kh1, HIDDEN + D_GLOBAL, HIDDEN)
    Wh2, bh2 = _linear_params(kh2, HIDDEN, 1)
    params = {"convs": convs, "head": (Wh1, bh1, Wh2, bh2)}
    return {"x": x, "global_feats": global_feats, "params": params,
            "edge_index": edge_index, "batch": batch}


def reference(x, global_feats, params, edge_index, batch):
    # GINConv stack (train_eps=True), eval mode (dropout disabled)
    src = edge_index[0]
    dst = edge_index[1]
    h = x
    for (eps, W1, b1, W2, b2) in params["convs"]:
        h_in = h
        # sum-aggregate messages x_j at destination nodes (scatter-add)
        agg = jax.ops.segment_sum(h[src], dst, num_segments=N)
        z = (1.0 + eps) * h + agg
        # GIN MLP: Linear -> ReLU -> Linear
        z = jax.nn.relu(z @ W1 + b1)
        z = z @ W2 + b2
        z = jax.nn.relu(z)
        if z.shape == h_in.shape:
            z = z + h_in
        h = z
    # global mean pool over graphs
    sums = jax.ops.segment_sum(h, batch, num_segments=N_GRAPHS)
    counts = jax.ops.segment_sum(jnp.ones((h.shape[0],), dtype=h.dtype), batch, num_segments=N_GRAPHS)
    pooled = sums / jnp.clip(counts, 1.0)[:, None]
    Wh1, bh1, Wh2, bh2 = params["head"]
    hcat = jnp.concatenate([pooled, global_feats], axis=-1)
    hid = jax.nn.relu(hcat @ Wh1 + bh1)
    logits = hid @ Wh2 + bh2
    return logits.squeeze(-1)

if __name__ == "__main__":
    import jax
    _d = setup_inputs()
    print(jax.jit(kernel)(*tuple(_d.values())))

</pallas_src>

<mosaic_0001>
#map = affine_map<(d0, d1) -> (0, 0)>
#map1 = affine_map<(d0, d1) -> (0, 0, 0, 0)>
#map2 = affine_map<(d0, d1) -> (0, 0, 0)>
module attributes {stable_mosaic.version = 14 : i64} {
  func.func @_sc_agg_body(%arg0: i32, %arg1: i32, %arg2: memref<10000x128xf32, #tpu.memory_space<hbm>>, %arg3: memref<32x5x25x80xi32, #tpu.memory_space<hbm>>, %arg4: memref<32x5x25x80xi32, #tpu.memory_space<hbm>>, %arg5: memref<640x128xf32, #tpu.memory_space<hbm>>, %arg6: memref<2x10240x128xf32, #tpu.memory_space<hbm>>, %arg7: memref<25x80xi32, #tpu.memory_space<vmem>>, %arg8: memref<25x80xi32, #tpu.memory_space<vmem>>, %arg9: memref<80x128xf32, #tpu.memory_space<vmem>>, %arg10: memref<80x128xf32, #tpu.memory_space<vmem>>, %arg11: memref<80x128xf32, #tpu.memory_space<vmem>>, %arg12: memref<10240x128xf32, #tpu.memory_space<vmem_shared>>, %arg13: memref<!tpu.dma_semaphore, #tpu.memory_space<semaphore_mem>>, %arg14: memref<!tpu.dma_semaphore, #tpu.memory_space<semaphore_mem>>, %arg15: memref<!tpu.dma_semaphore, #tpu.memory_space<semaphore_mem>>, %arg16: memref<!tpu.dma_semaphore, #tpu.memory_space<semaphore_mem>>, %arg17: memref<!tpu.dma_semaphore, #tpu.memory_space<semaphore_mem>>, %arg18: memref<!tpu.dma_semaphore, #tpu.memory_space<semaphore_mem>>) attributes {dimension_semantics = [#tpu.dimension_semantics<core_parallel>, #tpu.dimension_semantics<subcore_parallel>], iteration_bounds = array<i64: 2, 16>, scalar_prefetch = 0 : i64, scratch_operands = 12 : i64, tpu.core_type = #tpu.core_type<sc_vector_subcore>, window_params = [{transform_indices = #map}, {transform_indices = #map1}, {transform_indices = #map1}, {transform_indices = #map}, {transform_indices = #map2}]} {
    %mul3A = arith.constant 16 : i32
    %mul3A_0 = arith.muli %arg0, %mul3A : i32
    %add3A = arith.addi %mul3A_0, %arg1 : i32
    %mul3A_1 = arith.constant 640 : i32
    %mul3A_2 = arith.muli %arg1, %mul3A_1 : i32
    "tpu.region"() ({
      %run_scoped3A = tpu.sem_alloc : memref<!tpu.dma_semaphore, #tpu.memory_space<semaphore_mem>>
      %dma_start3A = arith.constant 0 : i32
      %dma_start3A_8 = tpu.memref_slice %arg12[%mul3A_2, %dma_start3A] : memref<10240x128xf32, #tpu.memory_space<vmem_shared>> -> memref<640x128xf32, #tpu.memory_space<vmem_shared>>
      tpu.enqueue_dma source(%arg5 : memref<640x128xf32, #tpu.memory_space<hbm>>) target(%dma_start3A_8 : memref<640x128xf32, #tpu.memory_space<vmem_shared>>) target_semaphore(%run_scoped3A : memref<!tpu.dma_semaphore, #tpu.memory_space<semaphore_mem>>)
      %dma_wait3A = arith.constant 0 : i32
      %dma_wait3A_9 = tpu.memref_slice %arg12[%mul3A_2, %dma_wait3A] : memref<10240x128xf32, #tpu.memory_space<vmem_shared>> -> memref<640x128xf32, #tpu.memory_space<vmem_shared>>
      tpu.wait_dma2 semaphore(%run_scoped3A : memref<!tpu.dma_semaphore, #tpu.memory_space<semaphore_mem>>) src(%arg5 : memref<640x128xf32, #tpu.memory_space<hbm>>) dst(%dma_wait3A_9 : memref<640x128xf32, #tpu.memory_space<vmem_shared>>)
      tpu.yield
    }) : () -> ()
    %barrier3A = arith.constant 0 : index
    tpu.barrier barrier_id(%barrier3A)
    %scan3A = arith.constant 0 : i32
    %scan3A_3 = arith.constant 5 : i32
    %scan3A_4 = arith.addi %scan3A, %scan3A_3 : i32
    %scan3A_5 = arith.constant 1 : i32
    scf.for %scan3A_8 = %scan3A to %scan3A_4 step %scan3A_5  : i32 {
      %mul3A_9 = arith.constant 1 : i32
      %mul3A_10 = arith.muli %scan3A_8, %mul3A_9 : i32
      %add3A_11 = arith.constant 0 : i32
      %add3A_12 = arith.addi %add3A_11, %mul3A_10 : i32
      "tpu.region"() ({
        %run_scoped3A = tpu.sem_alloc : memref<!tpu.dma_semaphore, #tpu.memory_space<semaphore_mem>>
        %dma_start3A_135 = arith.constant 0 : i32
        %dma_start3A_136 = arith.constant 0 : i32
        %dma_start3A_137 = tpu.memref_slice %arg3[%add3A, %add3A_12, %dma_start3A_135, %dma_start3A_136] : memref<32x5x25x80xi32, #tpu.memory_space<hbm>> -> memref<1x1x25x80xi32, #tpu.memory_space<hbm>>
        %dma_start3A_138 = tpu.memref_squeeze %dma_start3A_137 : memref<1x1x25x80xi32, #tpu.memory_space<hbm>> -> memref<25x80xi32, #tpu.memory_space<hbm>>
        %dma_start3A_139 = arith.constant 0 : i32
        %dma_start3A_140 = arith.constant 0 : i32
        %dma_start3A_141 = tpu.memref_slice %arg3[%add3A, %add3A_12, %dma_start3A_139, %dma_start3A_140] : memref<32x5x25x80xi32, #tpu.memory_space<hbm>> -> memref<1x1x25x80xi32, #tpu.memory_space<hbm>>
        %dma_start3A_142 = tpu.memref_squeeze %dma_start3A_141 : memref<1x1x25x80xi32, #tpu.memory_space<hbm>> -> memref<25x80xi32, #tpu.memory_space<hbm>>
        tpu.enqueue_dma source(%dma_start3A_142 : memref<25x80xi32, #tpu.memory_space<hbm>>) target(%arg7 : memref<25x80xi32, #tpu.memory_space<vmem>>) target_semaphore(%run_scoped3A : memref<!tpu.dma_semaphore, #tpu.memory_space<semaphore_mem>>)
        %dma_wait3A_143 = arith.constant 0 : i32
        %dma_wait3A_144 = arith.constant 0 : i32
        %dma_wait3A_145 = tpu.memref_slice %arg3[%add3A, %add3A_12, %dma_wait3A_143, %dma_wait3A_144] : memref<32x5x25x80xi32, #tpu.memory_space<hbm>> -> memref<1x1x25x80xi32, #tpu.memory_space<hbm>>
        %dma_wait3A_146 = tpu.memref_squeeze %dma_wait3A_145 : memref<1x1x25x80xi32, #tpu.memory_space<hbm>> -> memref<25x80xi32, #tpu.memory_space<hbm>>
        %dma_wait3A_147 = arith.constant 0 : i32
        %dma_wait3A_148 = arith.constant 0 : i32
        %dma_wait3A_149 = tpu.memref_slice %arg3[%add3A, %add3A_12, %dma_wait3A_147, %dma_wait3A_148] : memref<32x5x25x80xi32, #tpu.memory_space<hbm>> -> memref<1x1x25x80xi32, #tpu.memory_space<hbm>>
        %dma_wait3A_150 = tpu.memref_squeeze %dma_wait3A_149 : memref<1x1x25x80xi32, #tpu.memory_space<hbm>> -> memref<25x80xi32, #tpu.memory_space<hbm>>
        tpu.wait_dma2 semaphore(%run_scoped3A : memref<!tpu.dma_semaphore, #tpu.memory_space<semaphore_mem>>) src(%dma_wait3A_150 : memref<25x80xi32, #tpu.memory_space<hbm>>) dst(%arg7 : memref<25x80xi32, #tpu.memory_space<vmem>>)
        tpu.yield
      }) : () -> ()
      "tpu.region"() ({
        %run_scoped3A = tpu.sem_alloc : memref<!tpu.dma_semaphore, #tpu.memory_space<semaphore_mem>>
        %dma_start3A_135 = arith.constant 0 : i32
        %dma_start3A_136 = arith.constant 0 : i32
        %dma_start3A_137 = tpu.memref_slice %arg4[%add3A, %add3A_12, %dma_start3A_135, %dma_start3A_136] : memref<32x5x25x80xi32, #tpu.memory_space<hbm>> -> memref<1x1x25x80xi32, #tpu.memory_space<hbm>>
        %dma_start3A_138 = tpu.memref_squeeze %dma_start3A_137 : memref<1x1x25x80xi32, #tpu.memory_space<hbm>> -> memref<25x80xi32, #tpu.memory_space<hbm>>
        %dma_start3A_139 = arith.constant 0 : i32
        %dma_start3A_140 = arith.constant 0 : i32
        %dma_start3A_141 = tpu.memref_slice %arg4[%add3A, %add3A_12, %dma_start3A_139, %dma_start3A_140] : memref<32x5x25x80xi32, #tpu.memory_space<hbm>> -> memref<1x1x25x80xi32, #tpu.memory_space<hbm>>
        %dma_start3A_142 = tpu.memref_squeeze %dma_start3A_141 : memref<1x1x25x80xi32, #tpu.memory_space<hbm>> -> memref<25x80xi32, #tpu.memory_space<hbm>>
        tpu.enqueue_dma source(%dma_start3A_142 : memref<25x80xi32, #tpu.memory_space<hbm>>) target(%arg8 : memref<25x80xi32, #tpu.memory_space<vmem>>) target_semaphore(%run_scoped3A : memref<!tpu.dma_semaphore, #tpu.memory_space<semaphore_mem>>)
        %dma_wait3A_143 = arith.constant 0 : i32
        %dma_wait3A_144 = arith.constant 0 : i32
        %dma_wait3A_145 = tpu.memref_slice %arg4[%add3A, %add3A_12, %dma_wait3A_143, %dma_wait3A_144] : memref<32x5x25x80xi32, #tpu.memory_space<hbm>> -> memref<1x1x25x80xi32, #tpu.memory_space<hbm>>
        %dma_wait3A_146 = tpu.memref_squeeze %dma_wait3A_145 : memref<1x1x25x80xi32, #tpu.memory_space<hbm>> -> memref<25x80xi32, #tpu.memory_space<hbm>>
        %dma_wait3A_147 = arith.constant 0 : i32
        %dma_wait3A_148 = arith.constant 0 : i32
        %dma_wait3A_149 = tpu.memref_slice %arg4[%add3A, %add3A_12, %dma_wait3A_147, %dma_wait3A_148] : memref<32x5x25x80xi32, #tpu.memory_space<hbm>> -> memref<1x1x25x80xi32, #tpu.memory_space<hbm>>
        %dma_wait3A_150 = tpu.memref_squeeze %dma_wait3A_149 : memref<1x1x25x80xi32, #tpu.memory_space<hbm>> -> memref<25x80xi32, #tpu.memory_space<hbm>>
        tpu.wait_dma2 semaphore(%run_scoped3A : memref<!tpu.dma_semaphore, #tpu.memory_space<semaphore_mem>>) src(%dma_wait3A_150 : memref<25x80xi32, #tpu.memory_space<hbm>>) dst(%arg8 : memref<25x80xi32, #tpu.memory_space<vmem>>)
        tpu.yield
      }) : () -> ()
      %dma_start3A = arith.constant 0 : i32
      %dma_start3A_13 = arith.constant 0 : i32
      %dma_start3A_14 = tpu.memref_slice %arg7[%dma_start3A, %dma_start3A_13] : memref<25x80xi32, #tpu.memory_space<vmem>> -> memref<1x80xi32, #tpu.memory_space<vmem>>
      %dma_start3A_15 = tpu.memref_squeeze %dma_start3A_14 : memref<1x80xi32, #tpu.memory_space<vmem>> -> memref<80xi32, #tpu.memory_space<vmem>>
      %dma_start3A_16 = arith.constant 0 : i32
      %dma_start3A_17 = arith.constant 0 : i32
      %dma_start3A_18 = tpu.memref_slice %arg2[%dma_start3A_16, %dma_start3A_17] : memref<10000x128xf32, #tpu.memory_space<hbm>> -> memref<10000x128xf32, #tpu.memory_space<hbm>>
      tpu.enqueue_indirect_dma source(%dma_start3A_18 : memref<10000x128xf32, #tpu.memory_space<hbm>>) target(%arg9 : memref<80x128xf32, #tpu.memory_space<vmem>>) offsets(%dma_start3A_15 : memref<80xi32, #tpu.memory_space<vmem>>) semaphore(%arg13 : memref<!tpu.dma_semaphore, #tpu.memory_space<semaphore_mem>>)
      %dma_start3A_19 = arith.constant 1 : i32
      %dma_start3A_20 = arith.constant 0 : i32
      %dma_start3A_21 = tpu.memref_slice %arg7[%dma_start3A_19, %dma_start3A_20] : memref<25x80xi32, #tpu.memory_space<vmem>> -> memref<1x80xi32, #tpu.memory_space<vmem>>
      %dma_start3A_22 = tpu.memref_squeeze %dma_start3A_21 : memref<1x80xi32, #tpu.memory_space<vmem>> -> memref<80xi32, #tpu.memory_space<vmem>>
      %dma_start3A_23 = arith.constant 0 : i32
      %dma_start3A_24 = arith.constant 0 : i32
      %dma_start3A_25 = tpu.memref_slice %arg2[%dma_start3A_23, %dma_start3A_24] : memref<10000x128xf32, #tpu.memory_space<hbm>> -> memref<10000x128xf32, #tpu.memory_space<hbm>>
      tpu.enqueue_indirect_dma source(%dma_start3A_25 : memref<10000x128xf32, #tpu.memory_space<hbm>>) target(%arg10 : memref<80x128xf32, #tpu.memory_space<vmem>>) offsets(%dma_start3A_22 : memref<80xi32, #tpu.memory_space<vmem>>) semaphore(%arg14 : memref<!tpu.dma_semaphore, #tpu.memory_space<semaphore_mem>>)
      %scan3A_26 = arith.constant 0 : i32
      %scan3A_27 = arith.constant 7 : i32
      %scan3A_28 = arith.addi %scan3A_26, %scan3A_27 : i32
      %scan3A_29 = arith.constant 1 : i32
      scf.for %scan3A_135 = %scan3A_26 to %scan3A_28 step %scan3A_29  : i32 {
        %mul3A_136 = arith.constant 3 : i32
        %mul3A_137 = arith.muli %scan3A_135, %mul3A_136 : i32
        %add3A_138 = arith.constant 0 : i32
        %add3A_139 = arith.addi %add3A_138, %mul3A_137 : i32
        %add3A_140 = arith.constant 0 : i32
        %add3A_141 = arith.addi %add3A_139, %add3A_140 : i32
        %dma_wait3A_142 = arith.constant 0 : i32
        %dma_wait3A_143 = tpu.memref_slice %arg7[%add3A_141, %dma_wait3A_142] : memref<25x80xi32, #tpu.memory_space<vmem>> -> memref<1x80xi32, #tpu.memory_space<vmem>>
        %dma_wait3A_144 = tpu.memref_squeeze %dma_wait3A_143 : memref<1x80xi32, #tpu.memory_space<vmem>> -> memref<80xi32, #tpu.memory_space<vmem>>
        %dma_wait3A_145 = arith.constant 0 : i32
        %dma_wait3A_146 = arith.constant 0 : i32
        %dma_wait3A_147 = tpu.memref_slice %arg2[%dma_wait3A_145, %dma_wait3A_146] : memref<10000x128xf32, #tpu.memory_space<hbm>> -> memref<10000x128xf32, #tpu.memory_space<hbm>>
        tpu.wait_indirect_dma semaphore(%arg13 : memref<!tpu.dma_semaphore, #tpu.memory_space<semaphore_mem>>) src(%dma_wait3A_147 : memref<10000x128xf32, #tpu.memory_space<hbm>>) dst(%arg9 : memref<80x128xf32, #tpu.memory_space<vmem>>)
        %dma_start3A_148 = arith.constant 0 : i32
        %dma_start3A_149 = tpu.memref_slice %arg8[%add3A_141, %dma_start3A_148] : memref<25x80xi32, #tpu.memory_space<vmem>> -> memref<1x80xi32, #tpu.memory_space<vmem>>
        %dma_start3A_150 = tpu.memref_squeeze %dma_start3A_149 : memref<1x80xi32, #tpu.memory_space<vmem>> -> memref<80xi32, #tpu.memory_space<vmem>>
        %dma_start3A_151 = arith.constant 0 : i32
        %dma_start3A_152 = arith.constant 0 : i32
        %dma_start3A_153 = tpu.memref_slice %arg12[%dma_start3A_151, %dma_start3A_152] : memref<10240x128xf32, #tpu.memory_space<vmem_shared>> -> memref<10240x128xf32, #tpu.memory_space<vmem_shared>>
        tpu.enqueue_indirect_dma source(%arg9 : memref<80x128xf32, #tpu.memory_space<vmem>>) target(%dma_start3A_153 : memref<10240x128xf32, #tpu.memory_space<vmem_shared>>) offsets(%dma_start3A_150 : memref<80xi32, #tpu.memory_space<vmem>>) semaphore(%arg16 : memref<!tpu.dma_semaphore, #tpu.memory_space<semaphore_mem>>) {add = true}
        %ge3A = arith.constant 1 : i32
        %ge3A_154 = arith.cmpi sge, %add3A_141, %ge3A : i32
        %convert_element_type3A = arith.extui %ge3A_154 : i1 to i32
        %cond3A = arith.constant 0 : i32
        %cond3A_155 = arith.cmpi ne, %convert_element_type3A, %cond3A : i32
        scf.if %cond3A_155 {
          %sub3A = arith.constant 1 : i32
          %sub3A_218 = arith.subi %add3A_141, %sub3A : i32
          %dma_wait3A_219 = arith.constant 0 : i32
          %dma_wait3A_220 = tpu.memref_slice %arg8[%sub3A_218, %dma_wait3A_219] : memref<25x80xi32, #tpu.memory_space<vmem>> -> memref<1x80xi32, #tpu.memory_space<vmem>>
          %dma_wait3A_221 = tpu.memref_squeeze %dma_wait3A_220 : memref<1x80xi32, #tpu.memory_space<vmem>> -> memref<80xi32, #tpu.memory_space<vmem>>
          %dma_wait3A_222 = arith.constant 0 : i32
          %dma_wait3A_223 = arith.constant 0 : i32
          %dma_wait3A_224 = tpu.memref_slice %arg12[%dma_wait3A_222, %dma_wait3A_223] : memref<10240x128xf32, #tpu.memory_space<vmem_shared>> -> memref<10240x128xf32, #tpu.memory_space<vmem_shared>>
          tpu.wait_indirect_dma semaphore(%arg18 : memref<!tpu.dma_semaphore, #tpu.memory_space<semaphore_mem>>) src(%arg11 : memref<80x128xf32, #tpu.memory_space<vmem>>) dst(%dma_wait3A_224 : memref<10240x128xf32, #tpu.memory_space<vmem_shared>>)
        } else {
        }
        %add3A_156 = arith.constant 2 : i32
        %add3A_157 = arith.addi %add3A_141, %add3A_156 : i32
        %dma_start3A_158 = arith.constant 0 : i32
        %dma_start3A_159 = tpu.memref_slice %arg7[%add3A_157, %dma_start3A_158] : memref<25x80xi32, #tpu.memory_space<vmem>> -> memref<1x80xi32, #tpu.memory_space<vmem>>
        %dma_start3A_160 = tpu.memref_squeeze %dma_start3A_159 : memref<1x80xi32, #tpu.memory_space<vmem>> -> memref<80xi32, #tpu.memory_space<vmem>>
        %dma_start3A_161 = arith.constant 0 : i32
        %dma_start3A_162 = arith.constant 0 : i32
        %dma_start3A_163 = tpu.memref_slice %arg2[%dma_start3A_161, %dma_start3A_162] : memref<10000x128xf32, #tpu.memory_space<hbm>> -> memref<10000x128xf32, #tpu.memory_space<hbm>>
        tpu.enqueue_indirect_dma source(%dma_start3A_163 : memref<10000x128xf32, #tpu.memory_space<hbm>>) target(%arg11 : memref<80x128xf32, #tpu.memory_space<vmem>>) offsets(%dma_start3A_160 : memref<80xi32, #tpu.memory_space<vmem>>) semaphore(%arg15 : memref<!tpu.dma_semaphore, #tpu.memory_space<semaphore_mem>>)
        %add3A_164 = arith.constant 1 : i32
        %add3A_165 = arith.addi %add3A_139, %add3A_164 : i32
        %dma_wait3A_166 = arith.constant 0 : i32
        %dma_wait3A_167 = tpu.memref_slice %arg7[%add3A_165, %dma_wait3A_166] : memref<25x80xi32, #tpu.memory_space<vmem>> -> memref<1x80xi32, #tpu.memory_space<vmem>>
        %dma_wait3A_168 = tpu.memref_squeeze %dma_wait3A_167 : memref<1x80xi32, #tpu.memory_space<vmem>> -> memref<80xi32, #tpu.memory_space<vmem>>
        %dma_wait3A_169 = arith.constant 0 : i32
        %dma_wait3A_170 = arith.constant 0 : i32
        %dma_wait3A_171 = tpu.memref_slice %arg2[%dma_wait3A_169, %dma_wait3A_170] : memref<10000x128xf32, #tpu.memory_space<hbm>> -> memref<10000x128xf32, #tpu.memory_space<hbm>>
        tpu.wait_indirect_dma semaphore(%arg14 : memref<!tpu.dma_semaphore, #tpu.memory_space<semaphore_mem>>) src(%dma_wait3A_171 : memref<10000x128xf32, #tpu.memory_space<hbm>>) dst(%arg10 : memref<80x128xf32, #tpu.memory_space<vmem>>)
        %dma_start3A_172 = arith.constant 0 : i32
        %dma_start3A_173 = tpu.memref_slice %arg8[%add3A_165, %dma_start3A_172] : memref<25x80xi32, #tpu.memory_space<vmem>> -> memref<1x80xi32, #tpu.memory_space<vmem>>
        %dma_start3A_174 = tpu.memref_squeeze %dma_start3A_173 : memref<1x80xi32, #tpu.memory_space<vmem>> -> memref<80xi32, #tpu.memory_space<vmem>>
        %dma_start3A_175 = arith.constant 0 : i32
        %dma_start3A_176 = arith.constant 0 : i32
        %dma_start3A_177 = tpu.memref_slice %arg12[%dma_start3A_175, %dma_start3A_176] : memref<10240x128xf32, #tpu.memory_space<vmem_shared>> -> memref<10240x128xf32, #tpu.memory_space<vmem_shared>>
        tpu.enqueue_indirect_dma source(%arg10 : memref<80x128xf32, #tpu.memory_space<vmem>>) target(%dma_start3A_177 : memref<10240x128xf32, #tpu.memory_space<vmem_shared>>) offsets(%dma_start3A_174 : memref<80xi32, #tpu.memory_space<vmem>>) semaphore(%arg17 : memref<!tpu.dma_semaphore, #tpu.memory_space<semaphore_mem>>) {add = true}
        %ge3A_178 = arith.constant 1 : i32
        %ge3A_179 = arith.cmpi sge, %add3A_165, %ge3A_178 : i32
        %convert_element_type3A_180 = arith.extui %ge3A_179 : i1 to i32
        %cond3A_181 = arith.constant 0 : i32
        %cond3A_182 = arith.cmpi ne, %convert_element_type3A_180, %cond3A_181 : i32
        scf.if %cond3A_182 {
          %sub3A = arith.constant 1 : i32
          %sub3A_218 = arith.subi %add3A_165, %sub3A : i32
          %dma_wait3A_219 = arith.constant 0 : i32
          %dma_wait3A_220 = tpu.memref_slice %arg8[%sub3A_218, %dma_wait3A_219] : memref<25x80xi32, #tpu.memory_space<vmem>> -> memref<1x80xi32, #tpu.memory_space<vmem>>
          %dma_wait3A_221 = tpu.memref_squeeze %dma_wait3A_220 : memref<1x80xi32, #tpu.memory_space<vmem>> -> memref<80xi32, #tpu.memory_space<vmem>>
          %dma_wait3A_222 = arith.constant 0 : i32
          %dma_wait3A_223 = arith.constant 0 : i32
          %dma_wait3A_224 = tpu.memref_slice %arg12[%dma_wait3A_222, %dma_wait3A_223] : memref<10240x128xf32, #tpu.memory_space<vmem_shared>> -> memref<10240x128xf32, #tpu.memory_space<vmem_shared>>
          tpu.wait_indirect_dma semaphore(%arg16 : memref<!tpu.dma_semaphore, #tpu.memory_space<semaphore_mem>>) src(%arg9 : memref<80x128xf32, #tpu.memory_space<vmem>>) dst(%dma_wait3A_224 : memref<10240x128xf32, #tpu.memory_space<vmem_shared>>)
        } else {
        }
        %add3A_183 = arith.constant 2 : i32
        %add3A_184 = arith.addi %add3A_165, %add3A_183 : i32
        %dma_start3A_185 = arith.constant 0 : i32
        %dma_start3A_186 = tpu.memref_slice %arg7[%add3A_184, %dma_start3A_185] : memref<25x80xi32, #tpu.memory_space<vmem>> -> memref<1x80xi32, #tpu.memory_space<vmem>>
        %dma_start3A_187 = tpu.memref_squeeze %dma_start3A_186 : memref<1x80xi32, #tpu.memory_space<vmem>> -> memref<80xi32, #tpu.memory_space<vmem>>
        %dma_start3A_188 = arith.constant 0 : i32
        %dma_start3A_189 = arith.constant 0 : i32
        %dma_start3A_190 = tpu.memref_slice %arg2[%dma_start3A_188, %dma_start3A_189] : memref<10000x128xf32, #tpu.memory_space<hbm>> -> memref<10000x128xf32, #tpu.memory_space<hbm>>
        tpu.enqueue_indirect_dma source(%dma_start3A_190 : memref<10000x128xf32, #tpu.memory_space<hbm>>) target(%arg9 : memref<80x128xf32, #tpu.memory_space<vmem>>) offsets(%dma_start3A_187 : memref<80xi32, #tpu.memory_space<vmem>>) semaphore(%arg13 : memref<!tpu.dma_semaphore, #tpu.memory_space<semaphore_mem>>)
        %add3A_191 = arith.constant 2 : i32
        %add3A_192 = arith.addi %add3A_139, %add3A_191 : i32
        %dma_wait3A_193 = arith.constant 0 : i32
        %dma_wait3A_194 = tpu.memref_slice %arg7[%add3A_192, %dma_wait3A_193] : memref<25x80xi32, #tpu.memory_space<vmem>> -> memref<1x80xi32, #tpu.memory_space<vmem>>
        %dma_wait3A_195 = tpu.memref_squeeze %dma_wait3A_194 : memref<1x80xi32, #tpu.memory_space<vmem>> -> memref<80xi32, #tpu.memory_space<vmem>>
        %dma_wait3A_196 = arith.constant 0 : i32
        %dma_wait3A_197 = arith.constant 0 : i32
        %dma_wait3A_198 = tpu.memref_slice %arg2[%dma_wait3A_196, %dma_wait3A_197] : memref<10000x128xf32, #tpu.memory_space<hbm>> -> memref<10000x128xf32, #tpu.memory_space<hbm>>
        tpu.wait_indirect_dma semaphore(%arg15 : memref<!tpu.dma_semaphore, #tpu.memory_space<semaphore_mem>>) src(%dma_wait3A_198 : memref<10000x128xf32, #tpu.memory_space<hbm>>) dst(%arg11 : memref<80x128xf32, #tpu.memory_space<vmem>>)
        %dma_start3A_199 = arith.constant 0 : i32
        %dma_start3A_200 = tpu.memref_slice %arg8[%add3A_192, %dma_start3A_199] : memref<25x80xi32, #tpu.memory_space<vmem>> -> memref<1x80xi32, #tpu.memory_space<vmem>>
        %dma_start3A_201 = tpu.memref_squeeze %dma_start3A_200 : memref<1x80xi32, #tpu.memory_space<vmem>> -> memref<80xi32, #tpu.memory_space<vmem>>
        %dma_start3A_202 = arith.constant 0 : i32
        %dma_start3A_203 = arith.constant 0 : i32
        %dma_start3A_204 = tpu.memref_slice %arg12[%dma_start3A_202, %dma_start3A_203] : memref<10240x128xf32, #tpu.memory_space<vmem_shared>> -> memref<10240x128xf32, #tpu.memory_space<vmem_shared>>
        tpu.enqueue_indirect_dma source(%arg11 : memref<80x128xf32, #tpu.memory_space<vmem>>) target(%dma_start3A_204 : memref<10240x128xf32, #tpu.memory_space<vmem_shared>>) offsets(%dma_start3A_201 : memref<80xi32, #tpu.memory_space<vmem>>) semaphore(%arg18 : memref<!tpu.dma_semaphore, #tpu.memory_space<semaphore_mem>>) {add = true}
        %ge3A_205 = arith.constant 1 : i32
        %ge3A_206 = arith.cmpi sge, %add3A_192, %ge3A_205 : i32
        %convert_element_type3A_207 = arith.extui %ge3A_206 : i1 to i32
        %cond3A_208 = arith.constant 0 : i32
        %cond3A_209 = arith.cmpi ne, %convert_element_type3A_207, %cond3A_208 : i32
        scf.if %cond3A_209 {
          %sub3A = arith.constant 1 : i32
          %sub3A_218 = arith.subi %add3A_192, %sub3A : i32
          %dma_wait3A_219 = arith.constant 0 : i32
          %dma_wait3A_220 = tpu.memref_slice %arg8[%sub3A_218, %dma_wait3A_219] : memref<25x80xi32, #tpu.memory_space<vmem>> -> memref<1x80xi32, #tpu.memory_space<vmem>>
          %dma_wait3A_221 = tpu.memref_squeeze %dma_wait3A_220 : memref<1x80xi32, #tpu.memory_space<vmem>> -> memref<80xi32, #tpu.memory_space<vmem>>
          %dma_wait3A_222 = arith.constant 0 : i32
          %dma_wait3A_223 = arith.constant 0 : i32
          %dma_wait3A_224 = tpu.memref_slice %arg12[%dma_wait3A_222, %dma_wait3A_223] : memref<10240x128xf32, #tpu.memory_space<vmem_shared>> -> memref<10240x128xf32, #tpu.memory_space<vmem_shared>>
          tpu.wait_indirect_dma semaphore(%arg17 : memref<!tpu.dma_semaphore, #tpu.memory_space<semaphore_mem>>) src(%arg10 : memref<80x128xf32, #tpu.memory_space<vmem>>) dst(%dma_wait3A_224 : memref<10240x128xf32, #tpu.memory_space<vmem_shared>>)
        } else {
        }
        %add3A_210 = arith.constant 2 : i32
        %add3A_211 = arith.addi %add3A_192, %add3A_210 : i32
        %dma_start3A_212 = arith.constant 0 : i32
        %dma_start3A_213 = tpu.memref_slice %arg7[%add3A_211, %dma_start3A_212] : memref<25x80xi32, #tpu.memory_space<vmem>> -> memref<1x80xi32, #tpu.memory_space<vmem>>
        %dma_start3A_214 = tpu.memref_squeeze %dma_start3A_213 : memref<1x80xi32, #tpu.memory_space<vmem>> -> memref<80xi32, #tpu.memory_space<vmem>>
        %dma_start3A_215 = arith.constant 0 : i32
        %dma_start3A_216 = arith.constant 0 : i32
        %dma_start3A_217 = tpu.memref_slice %arg2[%dma_start3A_215, %dma_start3A_216] : memref<10000x128xf32, #tpu.memory_space<hbm>> -> memref<10000x128xf32, #tpu.memory_space<hbm>>
        tpu.enqueue_indirect_dma source(%dma_start3A_217 : memref<10000x128xf32, #tpu.memory_space<hbm>>) target(%arg10 : memref<80x128xf32, #tpu.memory_space<vmem>>) offsets(%dma_start3A_214 : memref<80xi32, #tpu.memory_space<vmem>>) semaphore(%arg14 : memref<!tpu.dma_semaphore, #tpu.memory_space<semaphore_mem>>)
      }
      %scan3A_30 = arith.constant 7 : i32
      %dma_wait3A = arith.constant 21 : i32
      %dma_wait3A_31 = arith.constant 0 : i32
      %dma_wait3A_32 = tpu.memref_slice %arg7[%dma_wait3A, %dma_wait3A_31] : memref<25x80xi32, #tpu.memory_space<vmem>> -> memref<1x80xi32, #tpu.memory_space<vmem>>
      %dma_wait3A_33 = tpu.memref_squeeze %dma_wait3A_32 : memref<1x80xi32, #tpu.memory_space<vmem>> -> memref<80xi32, #tpu.memory_space<vmem>>
      %dma_wait3A_34 = arith.constant 0 : i32
      %dma_wait3A_35 = arith.constant 0 : i32
      %dma_wait3A_36 = tpu.memref_slice %arg2[%dma_wait3A_34, %dma_wait3A_35] : memref<10000x128xf32, #tpu.memory_space<hbm>> -> memref<10000x128xf32, #tpu.memory_space<hbm>>
      tpu.wait_indirect_dma semaphore(%arg13 : memref<!tpu.dma_semaphore, #tpu.memory_space<semaphore_mem>>) src(%dma_wait3A_36 : memref<10000x128xf32, #tpu.memory_space<hbm>>) dst(%arg9 : memref<80x128xf32, #tpu.memory_space<vmem>>)
      %dma_start3A_37 = arith.constant 21 : i32
      %dma_start3A_38 = arith.constant 0 : i32
      %dma_start3A_39 = tpu.memref_slice %arg8[%dma_start3A_37, %dma_start3A_38] : memref<25x80xi32, #tpu.memory_space<vmem>> -> memref<1x80xi32, #tpu.memory_space<vmem>>
      %dma_start3A_40 = tpu.memref_squeeze %dma_start3A_39 : memref<1x80xi32, #tpu.memory_space<vmem>> -> memref<80xi32, #tpu.memory_space<vmem>>
      %dma_start3A_41 = arith.constant 0 : i32
      %dma_start3A_42 = arith.constant 0 : i32
      %dma_start3A_43 = tpu.memref_slice %arg12[%dma_start3A_41, %dma_start3A_42] : memref<10240x128xf32, #tpu.memory_space<vmem_shared>> -> memref<10240x128xf32, #tpu.memory_space<vmem_shared>>
      tpu.enqueue_indirect_dma source(%arg9 : memref<80x128xf32, #tpu.memory_space<vmem>>) target(%dma_start3A_43 : memref<10240x128xf32, #tpu.memory_space<vmem_shared>>) offsets(%dma_start3A_40 : memref<80xi32, #tpu.memory_space<vmem>>) semaphore(%arg16 : memref<!tpu.dma_semaphore, #tpu.memory_space<semaphore_mem>>) {add = true}
      %dma_wait3A_44 = arith.constant 20 : i32
      %dma_wait3A_45 = arith.constant 0 : i32
      %dma_wait3A_46 = tpu.memref_slice %arg8[%dma_wait3A_44, %dma_wait3A_45] : memref<25x80xi32, #tpu.memory_space<vmem>> -> memref<1x80xi32, #tpu.memory_space<vmem>>
      %dma_wait3A_47 = tpu.memref_squeeze %dma_wait3A_46 : memref<1x80xi32, #tpu.memory_space<vmem>> -> memref<80xi32, #tpu.memory_space<vmem>>
      %dma_wait3A_48 = arith.constant 0 : i32
      %dma_wait3A_49 = arith.constant 0 : i32
      %dma_wait3A_50 = tpu.memref_slice %arg12[%dma_wait3A_48, %dma_wait3A_49] : memref<10240x128xf32, #tpu.memory_space<vmem_shared>> -> memref<10240x128xf32, #tpu.memory_space<vmem_shared>>
      tpu.wait_indirect_dma semaphore(%arg18 : memref<!tpu.dma_semaphore, #tpu.memory_space<semaphore_mem>>) src(%arg11 : memref<80x128xf32, #tpu.memory_space<vmem>>) dst(%dma_wait3A_50 : memref<10240x128xf32, #tpu.memory_space<vmem_shared>>)
      %dma_start3A_51 = arith.constant 23 : i32
      %dma_start3A_52 = arith.constant 0 : i32
      %dma_start3A_53 = tpu.memref_slice %arg7[%dma_start3A_51, %dma_start3A_52] : memref<25x80xi32, #tpu.memory_space<vmem>> -> memref<1x80xi32, #tpu.memory_space<vmem>>
      %dma_start3A_54 = tpu.memref_squeeze %dma_start3A_53 : memref<1x80xi32, #tpu.memory_space<vmem>> -> memref<80xi32, #tpu.memory_space<vmem>>
      %dma_start3A_55 = arith.constant 0 : i32
      %dma_start3A_56 = arith.constant 0 : i32
      %dma_start3A_57 = tpu.memref_slice %arg2[%dma_start3A_55, %dma_start3A_56] : memref<10000x128xf32, #tpu.memory_space<hbm>> -> memref<10000x128xf32, #tpu.memory_space<hbm>>
      tpu.enqueue_indirect_dma source(%dma_start3A_57 : memref<10000x128xf32, #tpu.memory_space<hbm>>) target(%arg11 : memref<80x128xf32, #tpu.memory_space<vmem>>) offsets(%dma_start3A_54 : memref<80xi32, #tpu.memory_space<vmem>>) semaphore(%arg15 : memref<!tpu.dma_semaphore, #tpu.memory_space<semaphore_mem>>)
      %dma_wait3A_58 = arith.constant 22 : i32
      %dma_wait3A_59 = arith.constant 0 : i32
      %dma_wait3A_60 = tpu.memref_slice %arg7[%dma_wait3A_58, %dma_wait3A_59] : memref<25x80xi32, #tpu.memory_space<vmem>> -> memref<1x80xi32, #tpu.memory_space<vmem>>
      %dma_wait3A_61 = tpu.memref_squeeze %dma_wait3A_60 : memref<1x80xi32, #tpu.memory_space<vmem>> -> memref<80xi32, #tpu.memory_space<vmem>>
      %dma_wait3A_62 = arith.constant 0 : i32
      %dma_wait3A_63 = arith.constant 0 : i32
      %dma_wait3A_64 = tpu.memref_slice %arg2[%dma_wait3A_62, %dma_wait3A_63] : memref<10000x128xf32, #tpu.memory_space<hbm>> -> memref<10000x128xf32, #tpu.memory_space<hbm>>
      tpu.wait_indirect_dma semaphore(%arg14 : memref<!tpu.dma_semaphore, #tpu.memory_space<semaphore_mem>>) src(%dma_wait3A_64 : memref<10000x128xf32, #tpu.memory_space<hbm>>) dst(%arg10 : memref<80x128xf32, #tpu.memory_space<vmem>>)
      %dma_start3A_65 = arith.constant 22 : i32
      %dma_start3A_66 = arith.constant 0 : i32
      %dma_start3A_67 = tpu.memref_slice %arg8[%dma_start3A_65, %dma_start3A_66] : memref<25x80xi32, #tpu.memory_space<vmem>> -> memref<1x80xi32, #tpu.memory_space<vmem>>
      %dma_start3A_68 = tpu.memref_squeeze %dma_start3A_67 : memref<1x80xi32, #tpu.memory_space<vmem>> -> memref<80xi32, #tpu.memory_space<vmem>>
      %dma_start3A_69 = arith.constant 0 : i32
      %dma_start3A_70 = arith.constant 0 : i32
      %dma_start3A_71 = tpu.memref_slice %arg12[%dma_start3A_69, %dma_start3A_70] : memref<10240x128xf32, #tpu.memory_space<vmem_shared>> -> memref<10240x128xf32, #tpu.memory_space<vmem_shared>>
      tpu.enqueue_indirect_dma source(%arg10 : memref<80x128xf32, #tpu.memory_space<vmem>>) target(%dma_start3A_71 : memref<10240x128xf32, #tpu.memory_space<vmem_shared>>) offsets(%dma_start3A_68 : memref<80xi32, #tpu.memory_space<vmem>>) semaphore(%arg17 : memref<!tpu.dma_semaphore, #tpu.memory_space<semaphore_mem>>) {add = true}
      %dma_wait3A_72 = arith.constant 21 : i32
      %dma_wait3A_73 = arith.constant 0 : i32
      %dma_wait3A_74 = tpu.memref_slice %arg8[%dma_wait3A_72, %dma_wait3A_73] : memref<25x80xi32, #tpu.memory_space<vmem>> -> memref<1x80xi32, #tpu.memory_space<vmem>>
      %dma_wait3A_75 = tpu.memref_squeeze %dma_wait3A_74 : memref<1x80xi32, #tpu.memory_space<vmem>> -> memref<80xi32, #tpu.memory_space<vmem>>
      %dma_wait3A_76 = arith.constant 0 : i32
      %dma_wait3A_77 = arith.constant 0 : i32
      %dma_wait3A_78 = tpu.memref_slice %arg12[%dma_wait3A_76, %dma_wait3A_77] : memref<10240x128xf32, #tpu.memory_space<vmem_shared>> -> memref<10240x128xf32, #tpu.memory_space<vmem_shared>>
      tpu.wait_indirect_dma semaphore(%arg16 : memref<!tpu.dma_semaphore, #tpu.memory_space<semaphore_mem>>) src(%arg9 : memref<80x128xf32, #tpu.memory_space<vmem>>) dst(%dma_wait3A_78 : memref<10240x128xf32, #tpu.memory_space<vmem_shared>>)
      %dma_start3A_79 = arith.constant 24 : i32
      %dma_start3A_80 = arith.constant 0 : i32
      %dma_start3A_81 = tpu.memref_slice %arg7[%dma_start3A_79, %dma_start3A_80] : memref<25x80xi32, #tpu.memory_space<vmem>> -> memref<1x80xi32, #tpu.memory_space<vmem>>
      %dma_start3A_82 = tpu.memref_squeeze %dma_start3A_81 : memref<1x80xi32, #tpu.memory_space<vmem>> -> memref<80xi32, #tpu.memory_space<vmem>>
      %dma_start3A_83 = arith.constant 0 : i32
      %dma_start3A_84 = arith.constant 0 : i32
      %dma_start3A_85 = tpu.memref_slice %arg2[%dma_start3A_83, %dma_start3A_84] : memref<10000x128xf32, #tpu.memory_space<hbm>> -> memref<10000x128xf32, #tpu.memory_space<hbm>>
      tpu.enqueue_indirect_dma source(%dma_start3A_85 : memref<10000x128xf32, #tpu.memory_space<hbm>>) target(%arg9 : memref<80x128xf32, #tpu.memory_space<vmem>>) offsets(%dma_start3A_82 : memref<80xi32, #tpu.memory_space<vmem>>) semaphore(%arg13 : memref<!tpu.dma_semaphore, #tpu.memory_space<semaphore_mem>>)
      %dma_wait3A_86 = arith.constant 23 : i32
      %dma_wait3A_87 = arith.constant 0 : i32
      %dma_wait3A_88 = tpu.memref_slice %arg7[%dma_wait3A_86, %dma_wait3A_87] : memref<25x80xi32, #tpu.memory_space<vmem>> -> memref<1x80xi32, #tpu.memory_space<vmem>>
      %dma_wait3A_89 = tpu.memref_squeeze %dma_wait3A_88 : memref<1x80xi32, #tpu.memory_space<vmem>> -> memref<80xi32, #tpu.memory_space<vmem>>
      %dma_wait3A_90 = arith.constant 0 : i32
      %dma_wait3A_91 = arith.constant 0 : i32
      %dma_wait3A_92 = tpu.memref_slice %arg2[%dma_wait3A_90, %dma_wait3A_91] : memref<10000x128xf32, #tpu.memory_space<hbm>> -> memref<10000x128xf32, #tpu.memory_space<hbm>>
      tpu.wait_indirect_dma semaphore(%arg15 : memref<!tpu.dma_semaphore, #tpu.memory_space<semaphore_mem>>) src(%dma_wait3A_92 : memref<10000x128xf32, #tpu.memory_space<hbm>>) dst(%arg11 : memref<80x128xf32, #tpu.memory_space<vmem>>)
      %dma_start3A_93 = arith.constant 23 : i32
      %dma_start3A_94 = arith.constant 0 : i32
      %dma_start3A_95 = tpu.memref_slice %arg8[%dma_start3A_93, %dma_start3A_94] : memref<25x80xi32, #tpu.memory_space<vmem>> -> memref<1x80xi32, #tpu.memory_space<vmem>>
      %dma_start3A_96 = tpu.memref_squeeze %dma_start3A_95 : memref<1x80xi32, #tpu.memory_space<vmem>> -> memref<80xi32, #tpu.memory_space<vmem>>
      %dma_start3A_97 = arith.constant 0 : i32
      %dma_start3A_98 = arith.constant 0 : i32
      %dma_start3A_99 = tpu.memref_slice %arg12[%dma_start3A_97, %dma_start3A_98] : memref<10240x128xf32, #tpu.memory_space<vmem_shared>> -> memref<10240x128xf32, #tpu.memory_space<vmem_shared>>
      tpu.enqueue_indirect_dma source(%arg11 : memref<80x128xf32, #tpu.memory_space<vmem>>) target(%dma_start3A_99 : memref<10240x128xf32, #tpu.memory_space<vmem_shared>>) offsets(%dma_start3A_96 : memref<80xi32, #tpu.memory_space<vmem>>) semaphore(%arg18 : memref<!tpu.dma_semaphore, #tpu.memory_space<semaphore_mem>>) {add = true}
      %dma_wait3A_100 = arith.constant 22 : i32
      %dma_wait3A_101 = arith.constant 0 : i32
      %dma_wait3A_102 = tpu.memref_slice %arg8[%dma_wait3A_100, %dma_wait3A_101] : memref<25x80xi32, #tpu.memory_space<vmem>> -> memref<1x80xi32, #tpu.memory_space<vmem>>
      %dma_wait3A_103 = tpu.memref_squeeze %dma_wait3A_102 : memref<1x80xi32, #tpu.memory_space<vmem>> -> memref<80xi32, #tpu.memory_space<vmem>>
      %dma_wait3A_104 = arith.constant 0 : i32
      %dma_wait3A_105 = arith.constant 0 : i32
      %dma_wait3A_106 = tpu.memref_slice %arg12[%dma_wait3A_104, %dma_wait3A_105] : memref<10240x128xf32, #tpu.memory_space<vmem_shared>> -> memref<10240x128xf32, #tpu.memory_space<vmem_shared>>
      tpu.wait_indirect_dma semaphore(%arg17 : memref<!tpu.dma_semaphore, #tpu.memory_space<semaphore_mem>>) src(%arg10 : memref<80x128xf32, #tpu.memory_space<vmem>>) dst(%dma_wait3A_106 : memref<10240x128xf32, #tpu.memory_space<vmem_shared>>)
      %dma_wait3A_107 = arith.constant 24 : i32
      %dma_wait3A_108 = arith.constant 0 : i32
      %dma_wait3A_109 = tpu.memref_slice %arg7[%dma_wait3A_107, %dma_wait3A_108] : memref<25x80xi32, #tpu.memory_space<vmem>> -> memref<1x80xi32, #tpu.memory_space<vmem>>
      %dma_wait3A_110 = tpu.memref_squeeze %dma_wait3A_109 : memref<1x80xi32, #tpu.memory_space<vmem>> -> memref<80xi32, #tpu.memory_space<vmem>>
      %dma_wait3A_111 = arith.constant 0 : i32
      %dma_wait3A_112 = arith.constant 0 : i32
      %dma_wait3A_113 = tpu.memref_slice %arg2[%dma_wait3A_111, %dma_wait3A_112] : memref<10000x128xf32, #tpu.memory_space<hbm>> -> memref<10000x128xf32, #tpu.memory_space<hbm>>
      tpu.wait_indirect_dma semaphore(%arg13 : memref<!tpu.dma_semaphore, #tpu.memory_space<semaphore_mem>>) src(%dma_wait3A_113 : memref<10000x128xf32, #tpu.memory_space<hbm>>) dst(%arg9 : memref<80x128xf32, #tpu.memory_space<vmem>>)
      %dma_start3A_114 = arith.constant 24 : i32
      %dma_start3A_115 = arith.constant 0 : i32
      %dma_start3A_116 = tpu.memref_slice %arg8[%dma_start3A_114, %dma_start3A_115] : memref<25x80xi32, #tpu.memory_space<vmem>> -> memref<1x80xi32, #tpu.memory_space<vmem>>
      %dma_start3A_117 = tpu.memref_squeeze %dma_start3A_116 : memref<1x80xi32, #tpu.memory_space<vmem>> -> memref<80xi32, #tpu.memory_space<vmem>>
      %dma_start3A_118 = arith.constant 0 : i32
      %dma_start3A_119 = arith.constant 0 : i32
      %dma_start3A_120 = tpu.memref_slice %arg12[%dma_start3A_118, %dma_start3A_119] : memref<10240x128xf32, #tpu.memory_space<vmem_shared>> -> memref<10240x128xf32, #tpu.memory_space<vmem_shared>>
      tpu.enqueue_indirect_dma source(%arg9 : memref<80x128xf32, #tpu.memory_space<vmem>>) target(%dma_start3A_120 : memref<10240x128xf32, #tpu.memory_space<vmem_shared>>) offsets(%dma_start3A_117 : memref<80xi32, #tpu.memory_space<vmem>>) semaphore(%arg16 : memref<!tpu.dma_semaphore, #tpu.memory_space<semaphore_mem>>) {add = true}
      %dma_wait3A_121 = arith.constant 23 : i32
      %dma_wait3A_122 = arith.constant 0 : i32
      %dma_wait3A_123 = tpu.memref_slice %arg8[%dma_wait3A_121, %dma_wait3A_122] : memref<25x80xi32, #tpu.memory_space<vmem>> -> memref<1x80xi32, #tpu.memory_space<vmem>>
      %dma_wait3A_124 = tpu.memref_squeeze %dma_wait3A_123 : memref<1x80xi32, #tpu.memory_space<vmem>> -> memref<80xi32, #tpu.memory_space<vmem>>
      %dma_wait3A_125 = arith.constant 0 : i32
      %dma_wait3A_126 = arith.constant 0 : i32
      %dma_wait3A_127 = tpu.memref_slice %arg12[%dma_wait3A_125, %dma_wait3A_126] : memref<10240x128xf32, #tpu.memory_space<vmem_shared>> -> memref<10240x128xf32, #tpu.memory_space<vmem_shared>>
      tpu.wait_indirect_dma semaphore(%arg18 : memref<!tpu.dma_semaphore, #tpu.memory_space<semaphore_mem>>) src(%arg11 : memref<80x128xf32, #tpu.memory_space<vmem>>) dst(%dma_wait3A_127 : memref<10240x128xf32, #tpu.memory_space<vmem_shared>>)
      %dma_wait3A_128 = arith.constant 24 : i32
      %dma_wait3A_129 = arith.constant 0 : i32
      %dma_wait3A_130 = tpu.memref_slice %arg8[%dma_wait3A_128, %dma_wait3A_129] : memref<25x80xi32, #tpu.memory_space<vmem>> -> memref<1x80xi32, #tpu.memory_space<vmem>>
      %dma_wait3A_131 = tpu.memref_squeeze %dma_wait3A_130 : memref<1x80xi32, #tpu.memory_space<vmem>> -> memref<80xi32, #tpu.memory_space<vmem>>
      %dma_wait3A_132 = arith.constant 0 : i32
      %dma_wait3A_133 = arith.constant 0 : i32
      %dma_wait3A_134 = tpu.memref_slice %arg12[%dma_wait3A_132, %dma_wait3A_133] : memref<10240x128xf32, #tpu.memory_space<vmem_shared>> -> memref<10240x128xf32, #tpu.memory_space<vmem_shared>>
      tpu.wait_indirect_dma semaphore(%arg16 : memref<!tpu.dma_semaphore, #tpu.memory_space<semaphore_mem>>) src(%arg9 : memref<80x128xf32, #tpu.memory_space<vmem>>) dst(%dma_wait3A_134 : memref<10240x128xf32, #tpu.memory_space<vmem_shared>>)
    }
    %scan3A_6 = arith.constant 5 : i32
    %barrier3A_7 = arith.constant 0 : index
    tpu.barrier barrier_id(%barrier3A_7)
    "tpu.region"() ({
      %run_scoped3A = tpu.sem_alloc : memref<!tpu.dma_semaphore, #tpu.memory_space<semaphore_mem>>
      %dma_start3A = arith.constant 0 : i32
      %dma_start3A_8 = tpu.memref_slice %arg6[%arg0, %mul3A_2, %dma_start3A] : memref<2x10240x128xf32, #tpu.memory_space<hbm>> -> memref<1x640x128xf32, #tpu.memory_space<hbm>>
      %dma_start3A_9 = tpu.memref_squeeze %dma_start3A_8 : memref<1x640x128xf32, #tpu.memory_space<hbm>> -> memref<640x128xf32, #tpu.memory_space<hbm>>
      %dma_start3A_10 = arith.constant 0 : i32
      %dma_start3A_11 = tpu.memref_slice %arg12[%mul3A_2, %dma_start3A_10] : memref<10240x128xf32, #tpu.memory_space<vmem_shared>> -> memref<640x128xf32, #tpu.memory_space<vmem_shared>>
      tpu.enqueue_dma source(%dma_start3A_11 : memref<640x128xf32, #tpu.memory_space<vmem_shared>>) target(%dma_start3A_9 : memref<640x128xf32, #tpu.memory_space<hbm>>) target_semaphore(%run_scoped3A : memref<!tpu.dma_semaphore, #tpu.memory_space<semaphore_mem>>)
      %dma_wait3A = arith.constant 0 : i32
      %dma_wait3A_12 = tpu.memref_slice %arg6[%arg0, %mul3A_2, %dma_wait3A] : memref<2x10240x128xf32, #tpu.memory_space<hbm>> -> memref<1x640x128xf32, #tpu.memory_space<hbm>>
      %dma_wait3A_13 = tpu.memref_squeeze %dma_wait3A_12 : memref<1x640x128xf32, #tpu.memory_space<hbm>> -> memref<640x128xf32, #tpu.memory_space<hbm>>
      %dma_wait3A_14 = arith.constant 0 : i32
      %dma_wait3A_15 = tpu.memref_slice %arg12[%mul3A_2, %dma_wait3A_14] : memref<10240x128xf32, #tpu.memory_space<vmem_shared>> -> memref<640x128xf32, #tpu.memory_space<vmem_shared>>
      tpu.wait_dma2 semaphore(%run_scoped3A : memref<!tpu.dma_semaphore, #tpu.memory_space<semaphore_mem>>) src(%dma_wait3A_15 : memref<640x128xf32, #tpu.memory_space<vmem_shared>>) dst(%dma_wait3A_13 : memref<640x128xf32, #tpu.memory_space<hbm>>)
      tpu.yield
    }) : () -> ()
    return
  }
}

</mosaic_0001>

<sc_bundles>
// kernel: _sc_agg.3.cloned.1.call-start
scs
__scs_entry_jumppad:
0x0: {  	(pc) =	sbr.rel $0x88, $3  }
0x1: {  	(tag) =	ssettag $0x0;
	lr =	simm.s32 $0x1  }
0x2: {  	[smem:$0x3F9D] =	sst lr;
	_ =	strace $0xD0000000  }
0x3: {  	_ = 	snop  }
0x4: {  	_ = 	snop  }
0x5: {  	_ = 	snop  }
0x6: {  	_ = 	snop  }
0x7: {  	_ = 	snop  }
__scs_overlays_trampoline_lowered:
0x8: {  	[smem:$0x3FAC] =	sst s0  }
0x9: {  	[smem:$0x3FAD] =	sst s1  }
0xa: {  	[smem:$0x3FAE] =	sst s2  }
0xb: {  	[smem:$0x3FAF] =	sst s3  }
0xc: {  	[smem:$0x3FB0] =	sst s4  }
0xd: {  	[smem:$0x3FB1] =	sst s5  }
0xe: {  	[smem:$0x3FB2] =	sst s6  }
0xf: {  	[smem:$0x3FB3] =	sst s7  }
0x10: {  	[smem:$0x3FB4] =	sst s8  }
0x11: {  	[smem:$0x3FB5] =	sst s9;
	s0 =	simm.s32 @!p0 $0x0  }
0x12: {  	s1 =	sld [smem:$0x3F9B];
	s0 =	simm.s32 @p0 $0x1  }
0x13: {  	[smem:$0x3FB6] =	sst s0;
	s0 =	simm.s32 @!p1 $0x0  }
0x14: {  	s2 =	sld [smem:$0x3F9A];
	s0 =	simm.s32 @p1 $0x1  }
0x15: {  	[smem:$0x3FB7] =	sst s0;
	s0 =	simm.s32 @!p2 $0x0  }
0x16: {  	s3 =	sld [smem:$0x3FDB];
	s0 =	simm.s32 @p2 $0x1  }
0x17: {  	s4 =	simm.s32 $0x1BF5;
	[smem:$0x3FB9] =	sst s0  }
0x18: {  	s0 =	sld [smem:$0x3F9C];
	_ =	swait.ge [sflag:s4], $0x0  }
0x19: {  	s7 =	sld [smem:$0x3F9D]  }
0x1a: {  	s8 =	sadd.s32 $0xFFFFE003, lr  }
0x1b: {  	s9 =	sadd.s32 $0xFFFFFEF7, lr;
	s5 =	simm.s32 $0xFFFFFFFF;
	p2 =	slt.u32 s8, $0xFFFFF086  }
0x1c: {  	p1 =	slt.u32 s9, $0xF7A;
	s5 =	simm.s32 @!p2 $0x0  }
0x1d: {  	s5 =	simm.s32 @p1 $0x1;
	p0 =	seq.s32 s7, s2  }
0x1e: {  	s7 =	smul.u32 @!p0 $0xF7A, s2;
	p2 =	seq.s32 @!p0 s5, $0x0  }
0x1f: {  	s9 =	smul.u32 $0xF7A, s1;
	s8 =	simm.s32 @!p0 $0x1BF5;
	p2 =	por !p2, p0  }
0x20: {  	[sflag:s8] =	ssyncset.s32 @!p0 $0xFFFFF086;
	s6 =	sadd.s32 @!p0 s3, s7;
	s7 =	simm.s32 @!p0 $0x108  }
0x21: {  	s3 =	sadd.s32 s3, s9;
	s6 =	sadd.s32 @!p0 $0x88, s6;
	s7 =	simm.s32 @p2 $0x1082  }
0x22: {  	[simem:s7], [sflag:s8] =	dma.local @!p0 [hbm:s6], $0xF7A  }
0x23: {  	s9 =	sor.u32 $0xD0000000, s2;
	s6 =	simm.s32 $0x108;
	_ =	swait.ge @!p0 [sflag:s8], $0x0  }
0x24: {  	s3 =	sadd.s32 $0x88, s3;
	s6 =	simm.s32 @!p1 $0x1082;
	[sflag:s4] =	ssyncset.s32 $0xFFFFF086  }
0x25: {  	[simem:s6], [sflag:s4] =	dma.local [hbm:s3], $0xF7A  }
0x26: {  	[smem:$0x3F9D] =	sst s1;
	(tag) =	ssettag s2;
	_ =	strace s9  }
0x27: {  	s1 =	sld [smem:$0x3FAD]  }
0x28: {  	s2 =	sld [smem:$0x3FAE]  }
0x29: {  	s4 =	sld [smem:$0x3FB0]  }
0x2a: {  	p0 =	seq.s32 s5, $0x0;
	s5 =	sld [smem:$0x3FB1]  }
0x2b: {  	s6 =	sld [smem:$0x3FB2]  }
0x2c: {  	s7 =	sld [smem:$0x3FB3]  }
0x2d: {  	s3 =	simm.s32 $0x108;
	s8 =	sld [smem:$0x3FB4]  }
0x2e: {  	s3 =	simm.s32 @!p0 $0x1082;
	s9 =	sld [smem:$0x3FB5]  }
0x2f: {  	lr =	sadd.s32 s0, s3;
	s0 =	sld [smem:$0x3FAC]  }
0x30: {  	s3 =	sld [smem:$0x3FAF]  }
0x31: {  	[smem:$0x3FB8] =	sst s10  }
0x32: {  	s10 =	sld [smem:$0x3FB6];
	_ =	sdelay $0x3  }
0x33: {  	p0 =	seq.s32 s10, $0x1;
	s10 =	sld [smem:$0x3FB8];
	_ =	sdelay $0x3  }
0x34: {  	[smem:$0x3FB8] =	sst s10  }
0x35: {  	s10 =	sld [smem:$0x3FB7];
	_ =	sdelay $0x3  }
0x36: {  	p1 =	seq.s32 s10, $0x1;
	s10 =	sld [smem:$0x3FB8];
	_ =	sdelay $0x3  }
0x37: {  	[smem:$0x3FB8] =	sst s10  }
0x38: {  	s10 =	sld [smem:$0x3FB9]  }
0x39: {  	_ = 	snop;
	(pc) =	sbr.ind lr, $3  }
0x3a: {  	_ = 	snop  }
0x3b: {  	_ = 	snop  }
0x3c: {  	p2 =	seq.s32 s10, $0x1;
	s10 =	sld [smem:$0x3FB8]  }
0x3d: {  	_ =	shalt  }
0x3e: {  	_ =	shalt  }
0x3f: {  	_ =	shalt  }
0x40: {  	_ =	shalt  }
0x41: {  	_ =	shalt  }
0x42: {  	_ =	shalt  }
0x43: {  	_ =	shalt  }
0x44: {  	_ =	shalt  }
0x45: {  	_ =	shalt  }
0x46: {  	_ =	shalt  }
0x47: {  	_ =	shalt  }
0x48: {  	_ =	shalt  }
0x49: {  	_ =	shalt  }
0x4a: {  	_ =	shalt  }
0x4b: {  	_ =	shalt  }
0x4c: {  	_ =	shalt  }
0x4d: {  	_ =	shalt  }
0x4e: {  	_ =	shalt  }
0x4f: {  	_ =	shalt  }
0x50: {  	_ =	shalt  }
0x51: {  	_ =	shalt  }
0x52: {  	_ =	shalt  }
0x53: {  	_ =	shalt  }
0x54: {  	_ =	shalt  }
0x55: {  	_ =	shalt  }
0x56: {  	_ =	shalt  }
0x57: {  	_ =	shalt  }
0x58: {  	_ =	shalt  }
0x59: {  	_ =	shalt  }
0x5a: {  	_ =	shalt  }
0x5b: {  	_ =	shalt  }
0x5c: {  	_ =	shalt  }
0x5d: {  	_ =	shalt  }
0x5e: {  	_ =	shalt  }
0x5f: {  	_ =	shalt  }
0x60: {  	_ =	shalt  }
0x61: {  	_ =	shalt  }
0x62: {  	_ =	shalt  }
0x63: {  	_ =	shalt  }
0x64: {  	_ =	shalt  }
0x65: {  	_ =	shalt  }
0x66: {  	_ =	shalt  }
0x67: {  	_ =	shalt  }
0x68: {  	_ =	shalt  }
0x69: {  	_ =	shalt  }
0x6a: {  	_ =	shalt  }
0x6b: {  	_ =	shalt  }
0x6c: {  	_ =	shalt  }
0x6d: {  	_ =	shalt  }
0x6e: {  	_ =	shalt  }
0x6f: {  	_ =	shalt  }
0x70: {  	_ =	shalt  }
0x71: {  	_ =	shalt  }
0x72: {  	_ =	shalt  }
0x73: {  	_ =	shalt  }
0x74: {  	_ =	shalt  }
0x75: {  	_ =	shalt  }
0x76: {  	_ =	shalt  }
0x77: {  	_ =	shalt  }
0x78: {  	_ =	shalt  }
0x79: {  	_ =	shalt  }
0x7a: {  	_ =	shalt  }
0x7b: {  	_ =	shalt  }
0x7c: {  	_ =	shalt  }
0x7d: {  	_ =	shalt  }
0x7e: {  	_ =	shalt  }
0x7f: {  	_ =	shalt  }
0x80: {  	_ =	shalt  }
0x81: {  	_ =	shalt  }
0x82: {  	_ =	shalt  }
0x83: {  	_ =	shalt  }
0x84: {  	_ =	shalt  }
0x85: {  	_ =	shalt  }
0x86: {  	_ =	shalt  }
0x87: {  	_ =	shalt  }
.Lfunc_end0:
.L_simem_size_0:
called_computation_lowered:
.L_overlay_start_0:
0x88: {  	s2 =	sld [smem:$0x3FD9]  }
0x89: {  	s3 =	sld [smem:$0x3FFE];
	_ =	sdelay $0x1  }
0x8a: {  	s1 =	srdreg.scid  }
0x8b: {  	s0 =	sand.u32 $0x1, s1  }
0x8c: {  	s17 =	sshll.u32 s0, $0xA;
	s2 =	sadd.s32 s3, s2  }
0x8d: {  	s2 =	sadd.s32 s2, s17  }
0x8e: {  	[smem:$0x3FC4] =	sst s2  }
0x8f: {  	_ = 	snop  }
0x90: {  	s2 =	sld [smem:$0x3FC9]  }
0x91: {  	s18 =	sld [smem:$0x3FC6]  }
0x92: {  	s4 =	sld [smem:$0x3FD0];
	(tm) =	ssettm $0x1  }
0x93: {  	s5 =	sld [smem:$0x3FFB];
	_ =	sdelay $0x3  }
0x94: {  	_ =	strace s5  }
0x95: {  	s5 =	sld [smem:$0x3FFC];
	_ =	sdelay $0x3  }
0x96: {  	_ =	strace s5  }
0x97: {  	s5 =	sld [smem:$0x3FFD];
	_ =	sdelay $0x3  }
0x98: {  	_ =	strace s5  }
0x99: {  	_ =	strace $0x8FFFFFFF  }
0x9a: {  	s19 =	sld [smem:$0x3FDB];
	_ =	sdelay $0x1  }
0x9b: {  	s6 =	simm.s32 $_scs_section_size  }
0x9c: {  	s7 =	simm.s32 $_size__tile_overlayer_lowered;
	s8 =	simm.s32 $_tile_overlayer_lowered  }
0x9d: {  	s22 =	simm.s32 $0x1BFF;
	s21 =	sshll.u32 s8, $0x1;
	s5 =	sadd.s32 s6, s19  }
0x9e: {  	s9 =	simm.s32 $0x0;
	s20 =	sshll.u32 s7, $0x1;
	s7 =	sadd.s32 s21, s5  }
0x9f: {  	[timem:s9], [sflag:s22] =	dma.local [hbm:s7], s20  }
0xa0: {  	_ =	swait.ge [sflag:s22], s20  }
0xa1: {  	s6 =	ssub.s32 $0x0, s20;
	[sflag:s22] =	ssyncset.done $0x0  }
0xa2: {  	[sflag:s22] =	ssyncadd.s32 s6;
	_ =	sdelay $0x1  }
0xa3: {  	s23 =	simm.s32 $0x1B8B  }
0xa4: {  	_ =	swait.ge [sflag:s23], $0x1  }
0xa5: {  	[sflag:s23] =	ssyncset.done $0x0  }
0xa6: {  	s25 =	simm.s32 $0x1B8E;
	s24 =	sld [smem:$0x3FFE];
	[sflag:s23] =	ssyncadd.s32 $0xFFFFFFFF  }
0xa7: {  	s26 =	simm.s32 $execute0_lowered;
	[smem:$0x3FD2] =	sst s25  }
0xa8: {  	s7 =	sshll.u32 s26, $0x1;
	_ =	strace $0x80000046;
	[dreg:$0x1] =	wrdreg $0xFFFFFFFF  }
0xa9: {  	s28 =	simm.s32 $_size_execute0_lowered;
	s5 =	sadd.s32 s5, s7;
	[dreg:$0x0] =	wrdreg $0x0  }
0xaa: {  	s7 =	sshll.u32 s28, $0x1;
	[dreg:$0x2] =	wrdreg s5  }
0xab: {  	[dreg:$0x3] =	wrdreg s7  }
0xac: {  	[dreg:$0x4] =	wrdreg $0xC0  }
0xad: {  	_ =	task [dreg:s9], $0x5FFFF  }
0xae: {  	[dreg:$0x1] =	wrdreg $0xFFFFFFFF  }
0xaf: {  	[dreg:$0x0] =	wrdreg $0x60  }
0xb0: {  	[dreg:$0x2] =	wrdreg s2  }
0xb1: {  	[dreg:$0x3] =	wrdreg s24  }
0xb2: {  	[dreg:$0x4] =	wrdreg s18  }
0xb3: {  	[dreg:$0x5] =	wrdreg s4  }
0xb4: {  	[dreg:$0x6] =	wrdreg $0x98000  }
0xb5: {  	[dreg:$0x7] =	wrdreg $0x9  }
0xb6: {  	_ =	task.clear_ibuf [dreg:s9], $0x8FFFF;
	_ =	strace $0x90000046  }
0xb7: {  	s29 =	simm.s32 $0x9;
	_ =	strace $0x80000048  }
0xb8: {  	_ =	swait.ge [sflag:s29], $0x1  }
0xb9: {  	[sflag:s29] =	ssyncadd.s32 $0xFFFFFFFF  }
0xba: {  	_ =	strace $0x90000048  }
0xbb: {  	_ =	sfence  }
0xbc: {  	s30 =	sld [smem:$0x0];
	_ =	sdelay $0x2  }
0xbd: {  	s31 =	sshll.u32 s1, $0xD;
	s1 =	sshrl.u32 s1, $0x2  }
0xbe: {  	s3 =	sand.u32 $0x4000, s31;
	s1 =	sadd.s32 s1, s30  }
0xbf: {  	s0 =	sor.u32 s3, s0;
	s1 =	sshll.u32 s1, $0x11  }
0xc0: {  	s0 =	sor.u32 s1, s0  }
0xc1: {  	s0 =	sadd.s32 $0x8F2B, s0  }
0xc2: {  	[sflag:s0] =	ssyncadd.remote.s32 $0x1  }
0xc3: {  	_ =	sfence.sel $0xFFFF  }
0xc4: {  	[dreg:$0x0] =	wrdreg $0xFFFFFFFF;
	(pc) =	sbr.abs _section_cstart, $3  }
0xc5: {  	[dreg:$0x1] =	wrdreg $0xFFFFFFFF  }
0xc6: {  	_ =	task.clear_ibuf [dreg:s9], $0x2FFFF;
	_ =	strace $0x9FFFFFFF  }
0xc7: {  	(tm) =	ssettm $0x7FFFFFFF  }
tec
execute0_lowered:
.L_overlay_start_1:
0x0: {  	(tag) =	ssettag $0x1  }
0x1: {  	s0 =	srdreg.scid;
	s9 =	stileid.u32  }
0x2: {  	s1 =	rddreg [dreg:$0x0];
	s3 =	sand.u32 $0x1, s0;
	s6 =	smul.u32 $0x5000, s9  }
0x3: {  	s2 =	rddreg [dreg:$0x1];
	s5 =	smul.u32 $0x50000, s3  }
0x4: {  	s4 =	rddreg [dreg:$0x4]  }
0x5: {  	s0 =	rddreg [dreg:$0x3];
	s6 =	sadd.s32 s6, s5;
	s5 =	simm.s32 $0x0  }
0x6: {  	s24 =	simm.s32 $0x80;
	[smem:$0x7FF] =	sst s5  }
0x7: {  	s25 =	simm.s32 $0x100;
	_ =	strace $0x80000047;
	[dreg:$0x8] =	wrdreg s24  }
0x8: {  	s26 =	simm.s32 $0x1080;
	[dreg:$0x9] =	wrdreg s25  }
0x9: {  	s7 =	simm.s32 $0x1100;
	[dreg:$0xa] =	wrdreg s26  }
0xa: {  	s8 =	simm.s32 $0x200;
	[dreg:$0xc] =	wrdreg s7  }
0xb: {  	s10 =	simm.s32 $0x1180;
	[dreg:$0xd] =	wrdreg s8  }
0xc: {  	s11 =	simm.s32 $0x280;
	[dreg:$0xe] =	wrdreg s10  }
0xd: {  	s12 =	simm.s32 $0x1200;
	[dreg:$0xf] =	wrdreg s11  }
0xe: {  	s13 =	simm.s32 $0x300;
	[dreg:$0x10] =	wrdreg s12  }
0xf: {  	s15 =	simm.s32 $0x1280;
	s16 =	simm.s32 $0x380;
	[dreg:$0x11] =	wrdreg s13  }
0x10: {  	s17 =	simm.s32 $0x1300;
	s18 =	simm.s32 $0x400;
	[dreg:$0x12] =	wrdreg s15  }
0x11: {  	s20 =	simm.s32 $0x1380;
	s21 =	simm.s32 $0x480;
	[dreg:$0x13] =	wrdreg s16  }
0x12: {  	s23 =	simm.s32 $0x1400;
	s28 =	simm.s32 $0xB00;
	[dreg:$0x14] =	wrdreg s17  }
0x13: {  	s29 =	simm.s32 $0x1A80;
	s30 =	simm.s32 $0xB80;
	[dreg:$0x15] =	wrdreg s18  }
0x14: {  	s31 =	simm.s32 $0x1B00;
	s22 =	sshll.u32 s9, $0x6;
	[dreg:$0x16] =	wrdreg s20  }
0x15: {  	s14 =	ssub.s32 $0x2, s3;
	s3 =	smul.u32 $0x140000, s3;
	[dreg:$0x17] =	wrdreg s21  }
0x16: {  	s6 =	sshrl.u32 s6, $0x3;
	[dreg:$0x18] =	wrdreg s23;
	s24 =	simm.s32 $0x500  }
0x17: {  	s2 =	sadd.s32 s6, s2;
	s25 =	simm.s32 $0x1480;
	[dreg:$0x19] =	wrdreg s24  }
0x18: {  	s7 =	sshrl.u32 s14, $0x1;
	s26 =	simm.s32 $0x580;
	[dreg:$0x1a] =	wrdreg s25  }
0x19: {  	s8 =	smul.u32 $0x50000, s9;
	s10 =	simm.s32 $0x1500;
	[dreg:$0x1b] =	wrdreg s26  }
0x1a: {  	s9 =	smul.u32 $0x14000, s9;
	s11 =	simm.s32 $0x600;
	[dreg:$0x1c] =	wrdreg s10  }
0x1b: {  	s12 =	simm.s32 $0x1580;
	s15 =	simm.s32 $0x1600;
	[dreg:$0x1d] =	wrdreg s11  }
0x1c: {  	s16 =	simm.s32 $0x700;
	s17 =	simm.s32 $0x1680;
	[dreg:$0x1e] =	wrdreg s12  }
0x1d: {  	s18 =	simm.s32 $0x780;
	s20 =	simm.s32 $0x800;
	[smem:$0x7F0] =	sst s15  }
0x1e: {  	s21 =	simm.s32 $0x1780;
	s23 =	simm.s32 $0x1800;
	[smem:$0x7F1] =	sst s16  }
0x1f: {  	s6 =	sadd.s32 $0x14600, s2;
	s2 =	sadd.s32 $0x600, s2;
	[smem:$0x7F2] =	sst s17  }
0x20: {  	s10 =	simm.s32 $0x7;
	s11 =	simm.s32 $0x1000;
	[smem:$0x7F3] =	sst s18  }
0x21: {  	s12 =	simm.s32 $0x50;
	s15 =	simm.s32 $0x1;
	[smem:$0x7F5] =	sst s20  }
0x22: {  	s16 =	simm.s32 $0x7000;
	[smem:$0x7F6] =	sst s21;
	s17 =	simm.s32 $0x2  }
0x23: {  	s18 =	simm.s32 $0x4;
	[smem:$0x7F8] =	sst s23;
	s24 =	simm.s32 $0x900  }
0x24: {  	s25 =	simm.s32 $0x1880;
	s20 =	simm.s32 $0x5;
	[dreg:$0x6] =	wrdreg s6  }
0x25: {  	s26 =	simm.s32 $0x980;
	s21 =	simm.s32 $0x6;
	[dreg:$0x7] =	wrdreg s2  }
0x26: {  	s23 =	simm.s32 $0xA00;
	s6 =	simm.s32 $0x180;
	[smem:$0x7F9] =	sst s24  }
0x27: {  	s19 =	sshrl.u32 s8, $0x2;
	s8 =	sor.u32 $0x1C07, s22;
	[smem:$0x7FA] =	sst s25  }
0x28: {  	s3 =	sadd.s32 s9, s3;
	s22 =	simm.s32 $0x880;
	[smem:$0x7FB] =	sst s26  }
0x29: {  	s24 =	simm.s32 $0x1980;
	s25 =	simm.s32 $0xA80;
	s26 =	simm.s32 $0x1A00  }
0x2a: {  	s2 =	simm.s32 $0xC00;
	s9 =	simm.s32 $0x0;
	[dreg:$0xb] =	wrdreg s6  }
0x2b: {  	s6 =	ssub.s32 s14, s7;
	s7 =	sadd.s32 s19, s4;
	[smem:$0x7F7] =	sst s22  }
0x2c: {  	s3 =	sshrl.u32 s3, $0x3;
	s14 =	simm.s32 $0x680;
	[smem:$0x7FC] =	sst s8  }
0x2d: {  	s19 =	simm.s32 $0x1700;
	s22 =	simm.s32 $0x1900;
	[dreg:$0x1f] =	wrdreg s14  }
0x2e: {  	s0 =	sadd.s32 s0, s3;
	s13 =	smax.u32 s6, $0x1;
	[smem:$0x7F4] =	sst s19  }
0x2f: {  	s7 =	sshrl.u32 s7, $0x3;
	s14 =	simm.s32 $0x4800;
	[smem:$0x7EE] =	sst s0  }
0x30: {  	s19 =	simm.s32 $0x3;
	s3 =	simm.s32 $0x1C00;
	[smem:$0x7EF] =	sst s13  }
0x31: {  	s13 =	simm.s32 $0x2000;
	s0 =	simm.s32 $0x1B80;
	[smem:$0x7FD] =	sst s7  }
.LBB2_1:
0x32: {  	[smem:$0x7ED] =	sst s9  }
0x33: {  	s6 =	rddreg [dreg:$0x2]  }
0x34: {  	[spmem:s7], [sflag:s8] =	dma.local [hbm:s6], $0x2800  }
0x35: {  	_ =	swait.ge [sflag:s10], $0x2800  }
0x36: {  	[sflag:s10] =	ssyncset.done $0x0  }
0x37: {  	[sflag:s10] =	ssyncadd.s32 $0xFFFFD800  }
0x38: {  	[bflag:$0x0] =	sbarrier.arrive $0xFFFF  }
0x39: {  	s8 =	rddreg [dreg:$0x7]  }
0x3a: {  	s6 =	sadd.s32 $0x0, s8  }
0x3b: {  	[tilespmem:s5], [sflag:$0x7] =	stream.linear.gather [hbm4b:s6+s5], $0xC80, $0x38;
	[tilespmem:$0x1D800] =	vst v63  }
0x3c: {  	_ =	swait.ge [sflag:s10], $0xC80  }
0x3d: {  	s9 =	rddreg [dreg:$0x6];
	[sflag:s10] =	ssyncset.done $0x0  }
0x3e: {  	[sflag:s10] =	ssyncadd.s32 $0xFFFFF380;
	s6 =	sadd.s32 $0x0, s9  }
0x3f: {  	[tilespmem:s11], [sflag:$0x7] =	stream.linear.gather [hbm4b:s6+s5], $0xC80, $0x38;
	[tilespmem:$0x1D800] =	vst v63  }
0x40: {  	_ =	swait.ge [sflag:s10], $0xC80  }
0x41: {  	[sflag:s10] =	ssyncset.done $0x0  }
0x42: {  	[sflag:s10] =	ssyncadd.s32 $0xFFFFF380  }
0x43: {  	[tilespmem:s13], [sflag:$0x1] =	stream.indirect.gather [hbm4b:s1+s12], $0x80, s5, s12, $0xb8;
	[tilespmem:$0x1D800] =	vst v63  }
0x44: {  	s7 =	rddreg [dreg:$0x8]  }
0x45: {  	[tilespmem:s14], [sflag:$0x2] =	stream.indirect.gather [hbm4b:s1+s12], $0x80, s7, s12, $0xb8;
	[tilespmem:$0x1D800] =	vst v63  }
0x46: {  	_ =	swait.ge [sflag:s15], $0x2800  }
0x47: {  	[sflag:s15] =	ssyncset.done $0x0  }
0x48: {  	[sflag:s15] =	ssyncadd.s32 $0xFFFFD800  }
0x49: {  	[spmem:s4] =	stream.indirect.scatter.add.f32 [tilespmem:s13], [sflag:$0x4], $0x80, s11, s12, $0xb8;
	[tilespmem:$0x1D800] =	vst v63  }
0x4a: {  	s8 =	rddreg [dreg:$0x9]  }
0x4b: {  	[tilespmem:s16], [sflag:$0x3] =	stream.indirect.gather [hbm4b:s1+s12], $0x80, s8, s12, $0xb8;
	[tilespmem:$0x1D800] =	vst v63  }
0x4c: {  	_ =	swait.ge [sflag:s17], $0x2800  }
0x4d: {  	[sflag:s17] =	ssyncset.done $0x0  }
0x4e: {  	s9 =	rddreg [dreg:$0xa];
	[sflag:s17] =	ssyncadd.s32 $0xFFFFD800  }
0x4f: {  	[spmem:s4] =	stream.indirect.scatter.add.f32 [tilespmem:s14], [sflag:$0x5], $0x80, s9, s12, $0xb8;
	[tilespmem:$0x1D800] =	vst v63  }
0x50: {  	_ =	swait.ge [sflag:s18], $0x2800  }
0x51: {  	[sflag:s18] =	ssyncset.done $0x0  }
0x52: {  	s7 =	rddreg [dreg:$0xb];
	[sflag:s18] =	ssyncadd.s32 $0xFFFFD800  }
0x53: {  	[tilespmem:s13], [sflag:$0x1] =	stream.indirect.gather [hbm4b:s1+s12], $0x80, s7, s12, $0xb8;
	[tilespmem:$0x1D800] =	vst v63  }
0x54: {  	_ =	swait.ge [sflag:s19], $0x2800  }
0x55: {  	[sflag:s19] =	ssyncset.done $0x0  }
0x56: {  	s8 =	rddreg [dreg:$0xc];
	[sflag:s19] =	ssyncadd.s32 $0xFFFFD800  }
0x57: {  	[spmem:s4] =	stream.indirect.scatter.add.f32 [tilespmem:s16], [sflag:$0x6], $0x80, s8, s12, $0xb8;
	[tilespmem:$0x1D800] =	vst v63  }
0x58: {  	_ =	swait.ge [sflag:s20], $0x2800  }
0x59: {  	[sflag:s20] =	ssyncset.done $0x0  }
0x5a: {  	s9 =	rddreg [dreg:$0xd];
	[sflag:s20] =	ssyncadd.s32 $0xFFFFD800  }
0x5b: {  	[tilespmem:s14], [sflag:$0x2] =	stream.indirect.gather [hbm4b:s1+s12], $0x80, s9, s12, $0xb8;
	[tilespmem:$0x1D800] =	vst v63  }
0x5c: {  	_ =	swait.ge [sflag:s15], $0x2800  }
0x5d: {  	[sflag:s15] =	ssyncset.done $0x0  }
0x5e: {  	s7 =	rddreg [dreg:$0xe];
	[sflag:s15] =	ssyncadd.s32 $0xFFFFD800  }
0x5f: {  	[spmem:s4] =	stream.indirect.scatter.add.f32 [tilespmem:s13], [sflag:$0x4], $0x80, s7, s12, $0xb8;
	[tilespmem:$0x1D800] =	vst v63  }
0x60: {  	_ =	swait.ge [sflag:s21], $0x2800  }
0x61: {  	[sflag:s21] =	ssyncset.done $0x0  }
0x62: {  	s8 =	rddreg [dreg:$0xf];
	[sflag:s21] =	ssyncadd.s32 $0xFFFFD800  }
0x63: {  	[tilespmem:s16], [sflag:$0x3] =	stream.indirect.gather [hbm4b:s1+s12], $0x80, s8, s12, $0xb8;
	[tilespmem:$0x1D800] =	vst v63  }
0x64: {  	_ =	swait.ge [sflag:s17], $0x2800  }
0x65: {  	[sflag:s17] =	ssyncset.done $0x0  }
0x66: {  	s9 =	rddreg [dreg:$0x10];
	[sflag:s17] =	ssyncadd.s32 $0xFFFFD800  }
0x67: {  	[spmem:s4] =	stream.indirect.scatter.add.f32 [tilespmem:s14], [sflag:$0x5], $0x80, s9, s12, $0xb8;
	[tilespmem:$0x1D800] =	vst v63  }
0x68: {  	_ =	swait.ge [sflag:s18], $0x2800  }
0x69: {  	[sflag:s18] =	ssyncset.done $0x0  }
0x6a: {  	s7 =	rddreg [dreg:$0x11];
	[sflag:s18] =	ssyncadd.s32 $0xFFFFD800  }
0x6b: {  	[tilespmem:s13], [sflag:$0x1] =	stream.indirect.gather [hbm4b:s1+s12], $0x80, s7, s12, $0xb8;
	[tilespmem:$0x1D800] =	vst v63  }
0x6c: {  	_ =	swait.ge [sflag:s19], $0x2800  }
0x6d: {  	[sflag:s19] =	ssyncset.done $0x0  }
0x6e: {  	s8 =	rddreg [dreg:$0x12];
	[sflag:s19] =	ssyncadd.s32 $0xFFFFD800  }
0x6f: {  	[spmem:s4] =	stream.indirect.scatter.add.f32 [tilespmem:s16], [sflag:$0x6], $0x80, s8, s12, $0xb8;
	[tilespmem:$0x1D800] =	vst v63  }
0x70: {  	_ =	swait.ge [sflag:s20], $0x2800  }
0x71: {  	[sflag:s20] =	ssyncset.done $0x0  }
0x72: {  	s9 =	rddreg [dreg:$0x13];
	[sflag:s20] =	ssyncadd.s32 $0xFFFFD800  }
0x73: {  	[tilespmem:s14], [sflag:$0x2] =	stream.indirect.gather [hbm4b:s1+s12], $0x80, s9, s12, $0xb8;
	[tilespmem:$0x1D800] =	vst v63  }
0x74: {  	_ =	swait.ge [sflag:s15], $0x2800  }
0x75: {  	[sflag:s15] =	ssyncset.done $0x0  }
0x76: {  	s7 =	rddreg [dreg:$0x14];
	[sflag:s15] =	ssyncadd.s32 $0xFFFFD800  }
0x77: {  	[spmem:s4] =	stream.indirect.scatter.add.f32 [tilespmem:s13], [sflag:$0x4], $0x80, s7, s12, $0xb8;
	[tilespmem:$0x1D800] =	vst v63  }
0x78: {  	_ =	swait.ge [sflag:s21], $0x2800  }
0x79: {  	[sflag:s21] =	ssyncset.done $0x0  }
0x7a: {  	s8 =	rddreg [dreg:$0x15];
	[sflag:s21] =	ssyncadd.s32 $0xFFFFD800  }
0x7b: {  	[tilespmem:s16], [sflag:$0x3] =	stream.indirect.gather [hbm4b:s1+s12], $0x80, s8, s12, $0xb8;
	[tilespmem:$0x1D800] =	vst v63  }
0x7c: {  	_ =	swait.ge [sflag:s17], $0x2800  }
0x7d: {  	[sflag:s17] =	ssyncset.done $0x0  }
0x7e: {  	s9 =	rddreg [dreg:$0x16];
	[sflag:s17] =	ssyncadd.s32 $0xFFFFD800  }
0x7f: {  	[spmem:s4] =	stream.indirect.scatter.add.f32 [tilespmem:s14], [sflag:$0x5], $0x80, s9, s12, $0xb8;
	[tilespmem:$0x1D800] =	vst v63  }
0x80: {  	_ =	swait.ge [sflag:s18], $0x2800  }
0x81: {  	[sflag:s18] =	ssyncset.done $0x0  }
0x82: {  	s7 =	rddreg [dreg:$0x17];
	[sflag:s18] =	ssyncadd.s32 $0xFFFFD800  }
0x83: {  	[tilespmem:s13], [sflag:$0x1] =	stream.indirect.gather [hbm4b:s1+s12], $0x80, s7, s12, $0xb8;
	[tilespmem:$0x1D800] =	vst v63  }
0x84: {  	_ =	swait.ge [sflag:s19], $0x2800  }
0x85: {  	[sflag:s19] =	ssyncset.done $0x0  }
0x86: {  	s8 =	rddreg [dreg:$0x18];
	[sflag:s19] =	ssyncadd.s32 $0xFFFFD800  }
0x87: {  	[spmem:s4] =	stream.indirect.scatter.add.f32 [tilespmem:s16], [sflag:$0x6], $0x80, s8, s12, $0xb8;
	[tilespmem:$0x1D800] =	vst v63  }
0x88: {  	_ =	swait.ge [sflag:s20], $0x2800  }
0x89: {  	[sflag:s20] =	ssyncset.done $0x0  }
0x8a: {  	s9 =	rddreg [dreg:$0x19];
	[sflag:s20] =	ssyncadd.s32 $0xFFFFD800  }
0x8b: {  	[tilespmem:s14], [sflag:$0x2] =	stream.indirect.gather [hbm4b:s1+s12], $0x80, s9, s12, $0xb8;
	[tilespmem:$0x1D800] =	vst v63  }
0x8c: {  	_ =	swait.ge [sflag:s15], $0x2800  }
0x8d: {  	[sflag:s15] =	ssyncset.done $0x0  }
0x8e: {  	s7 =	rddreg [dreg:$0x1a];
	[sflag:s15] =	ssyncadd.s32 $0xFFFFD800  }
0x8f: {  	[spmem:s4] =	stream.indirect.scatter.add.f32 [tilespmem:s13], [sflag:$0x4], $0x80, s7, s12, $0xb8;
	[tilespmem:$0x1D800] =	vst v63  }
0x90: {  	_ =	swait.ge [sflag:s21], $0x2800  }
0x91: {  	[sflag:s21] =	ssyncset.done $0x0  }
0x92: {  	s8 =	rddreg [dreg:$0x1b];
	[sflag:s21] =	ssyncadd.s32 $0xFFFFD800  }
0x93: {  	[tilespmem:s16], [sflag:$0x3] =	stream.indirect.gather [hbm4b:s1+s12], $0x80, s8, s12, $0xb8;
	[tilespmem:$0x1D800] =	vst v63  }
0x94: {  	_ =	swait.ge [sflag:s17], $0x2800  }
0x95: {  	[sflag:s17] =	ssyncset.done $0x0  }
0x96: {  	s9 =	rddreg [dreg:$0x1c];
	[sflag:s17] =	ssyncadd.s32 $0xFFFFD800  }
0x97: {  	[spmem:s4] =	stream.indirect.scatter.add.f32 [tilespmem:s14], [sflag:$0x5], $0x80, s9, s12, $0xb8;
	[tilespmem:$0x1D800] =	vst v63  }
0x98: {  	_ =	swait.ge [sflag:s18], $0x2800  }
0x99: {  	[sflag:s18] =	ssyncset.done $0x0  }
0x9a: {  	s7 =	rddreg [dreg:$0x1d];
	[sflag:s18] =	ssyncadd.s32 $0xFFFFD800  }
0x9b: {  	[tilespmem:s13], [sflag:$0x1] =	stream.indirect.gather [hbm4b:s1+s12], $0x80, s7, s12, $0xb8;
	[tilespmem:$0x1D800] =	vst v63  }
0x9c: {  	_ =	swait.ge [sflag:s19], $0x2800  }
0x9d: {  	[sflag:s19] =	ssyncset.done $0x0  }
0x9e: {  	s8 =	rddreg [dreg:$0x1e];
	[sflag:s19] =	ssyncadd.s32 $0xFFFFD800  }
0x9f: {  	[spmem:s4] =	stream.indirect.scatter.add.f32 [tilespmem:s16], [sflag:$0x6], $0x80, s8, s12, $0xb8;
	[tilespmem:$0x1D800] =	vst v63  }
0xa0: {  	_ =	swait.ge [sflag:s20], $0x2800  }
0xa1: {  	[sflag:s20] =	ssyncset.done $0x0  }
0xa2: {  	s9 =	rddreg [dreg:$0x1f];
	[sflag:s20] =	ssyncadd.s32 $0xFFFFD800  }
0xa3: {  	[tilespmem:s14], [sflag:$0x2] =	stream.indirect.gather [hbm4b:s1+s12], $0x80, s9, s12, $0xb8;
	[tilespmem:$0x1D800] =	vst v63  }
0xa4: {  	_ =	swait.ge [sflag:s15], $0x2800  }
0xa5: {  	s7 =	sld [smem:$0x7F0]  }
0xa6: {  	[sflag:s15] =	ssyncset.done $0x0  }
0xa7: {  	[sflag:s15] =	ssyncadd.s32 $0xFFFFD800  }
0xa8: {  	[spmem:s4] =	stream.indirect.scatter.add.f32 [tilespmem:s13], [sflag:$0x4], $0x80, s7, s12, $0xb8;
	[tilespmem:$0x1D800] =	vst v63  }
0xa9: {  	_ =	swait.ge [sflag:s21], $0x2800  }
0xaa: {  	s8 =	sld [smem:$0x7F1]  }
0xab: {  	[sflag:s21] =	ssyncset.done $0x0  }
0xac: {  	[sflag:s21] =	ssyncadd.s32 $0xFFFFD800  }
0xad: {  	[tilespmem:s16], [sflag:$0x3] =	stream.indirect.gather [hbm4b:s1+s12], $0x80, s8, s12, $0xb8;
	[tilespmem:$0x1D800] =	vst v63  }
0xae: {  	_ =	swait.ge [sflag:s17], $0x2800  }
0xaf: {  	s9 =	sld [smem:$0x7F2]  }
0xb0: {  	[sflag:s17] =	ssyncset.done $0x0  }
0xb1: {  	[sflag:s17] =	ssyncadd.s32 $0xFFFFD800  }
0xb2: {  	[spmem:s4] =	stream.indirect.scatter.add.f32 [tilespmem:s14], [sflag:$0x5], $0x80, s9, s12, $0xb8;
	[tilespmem:$0x1D800] =	vst v63  }
0xb3: {  	_ =	swait.ge [sflag:s18], $0x2800  }
0xb4: {  	s7 =	sld [smem:$0x7F3]  }
0xb5: {  	[sflag:s18] =	ssyncset.done $0x0  }
0xb6: {  	[sflag:s18] =	ssyncadd.s32 $0xFFFFD800  }
0xb7: {  	[tilespmem:s13], [sflag:$0x1] =	stream.indirect.gather [hbm4b:s1+s12], $0x80, s7, s12, $0xb8;
	[tilespmem:$0x1D800] =	vst v63  }
0xb8: {  	_ =	swait.ge [sflag:s19], $0x2800  }
0xb9: {  	s8 =	sld [smem:$0x7F4]  }
0xba: {  	[sflag:s19] =	ssyncset.done $0x0  }
0xbb: {  	[sflag:s19] =	ssyncadd.s32 $0xFFFFD800  }
0xbc: {  	[spmem:s4] =	stream.indirect.scatter.add.f32 [tilespmem:s16], [sflag:$0x6], $0x80, s8, s12, $0xb8;
	[tilespmem:$0x1D800] =	vst v63  }
0xbd: {  	_ =	swait.ge [sflag:s20], $0x2800  }
0xbe: {  	s9 =	sld [smem:$0x7F5]  }
0xbf: {  	[sflag:s20] =	ssyncset.done $0x0  }
0xc0: {  	[sflag:s20] =	ssyncadd.s32 $0xFFFFD800  }
0xc1: {  	[tilespmem:s14], [sflag:$0x2] =	stream.indirect.gather [hbm4b:s1+s12], $0x80, s9, s12, $0xb8;
	[tilespmem:$0x1D800] =	vst v63  }
0xc2: {  	_ =	swait.ge [sflag:s15], $0x2800  }
0xc3: {  	s7 =	sld [smem:$0x7F6]  }
0xc4: {  	[sflag:s15] =	ssyncset.done $0x0  }
0xc5: {  	[sflag:s15] =	ssyncadd.s32 $0xFFFFD800  }
0xc6: {  	[spmem:s4] =	stream.indirect.scatter.add.f32 [tilespmem:s13], [sflag:$0x4], $0x80, s7, s12, $0xb8;
	[tilespmem:$0x1D800] =	vst v63  }
0xc7: {  	_ =	swait.ge [sflag:s21], $0x2800  }
0xc8: {  	s8 =	sld [smem:$0x7F7]  }
0xc9: {  	[sflag:s21] =	ssyncset.done $0x0  }
0xca: {  	[sflag:s21] =	ssyncadd.s32 $0xFFFFD800  }
0xcb: {  	[tilespmem:s16], [sflag:$0x3] =	stream.indirect.gather [hbm4b:s1+s12], $0x80, s8, s12, $0xb8;
	[tilespmem:$0x1D800] =	vst v63  }
0xcc: {  	_ =	swait.ge [sflag:s17], $0x2800  }
0xcd: {  	s9 =	sld [smem:$0x7F8]  }
0xce: {  	[sflag:s17] =	ssyncset.done $0x0  }
0xcf: {  	[sflag:s17] =	ssyncadd.s32 $0xFFFFD800  }
0xd0: {  	[spmem:s4] =	stream.indirect.scatter.add.f32 [tilespmem:s14], [sflag:$0x5], $0x80, s9, s12, $0xb8;
	[tilespmem:$0x1D800] =	vst v63  }
0xd1: {  	_ =	swait.ge [sflag:s18], $0x2800  }
0xd2: {  	s7 =	sld [smem:$0x7F9]  }
0xd3: {  	[sflag:s18] =	ssyncset.done $0x0  }
0xd4: {  	[sflag:s18] =	ssyncadd.s32 $0xFFFFD800  }
0xd5: {  	[tilespmem:s13], [sflag:$0x1] =	stream.indirect.gather [hbm4b:s1+s12], $0x80, s7, s12, $0xb8;
	[tilespmem:$0x1D800] =	vst v63  }
0xd6: {  	_ =	swait.ge [sflag:s19], $0x2800  }
0xd7: {  	s8 =	sld [smem:$0x7FA]  }
0xd8: {  	[sflag:s19] =	ssyncset.done $0x0  }
0xd9: {  	[sflag:s19] =	ssyncadd.s32 $0xFFFFD800  }
0xda: {  	[spmem:s4] =	stream.indirect.scatter.add.f32 [tilespmem:s16], [sflag:$0x6], $0x80, s8, s12, $0xb8;
	[tilespmem:$0x1D800] =	vst v63  }
0xdb: {  	_ =	swait.ge [sflag:s20], $0x2800  }
0xdc: {  	s9 =	sld [smem:$0x7FB]  }
0xdd: {  	[sflag:s20] =	ssyncset.done $0x0  }
0xde: {  	[sflag:s20] =	ssyncadd.s32 $0xFFFFD800  }
0xdf: {  	[tilespmem:s14], [sflag:$0x2] =	stream.indirect.gather [hbm4b:s1+s12], $0x80, s9, s12, $0xb8;
	[tilespmem:$0x1D800] =	vst v63  }
0xe0: {  	_ =	swait.ge [sflag:s15], $0x2800  }
0xe1: {  	[sflag:s15] =	ssyncset.done $0x0  }
0xe2: {  	[sflag:s15] =	ssyncadd.s32 $0xFFFFD800  }
0xe3: {  	[spmem:s4] =	stream.indirect.scatter.add.f32 [tilespmem:s13], [sflag:$0x4], $0x80, s22, s12, $0xb8;
	[tilespmem:$0x1D800] =	vst v63  }
0xe4: {  	_ =	swait.ge [sflag:s21], $0x2800  }
0xe5: {  	[sflag:s21] =	ssyncset.done $0x0  }
0xe6: {  	[sflag:s21] =	ssyncadd.s32 $0xFFFFD800  }
0xe7: {  	[tilespmem:s16], [sflag:$0x3] =	stream.indirect.gather [hbm4b:s1+s12], $0x80, s23, s12, $0xb8;
	[tilespmem:$0x1D800] =	vst v63  }
0xe8: {  	_ =	swait.ge [sflag:s17], $0x2800  }
0xe9: {  	[sflag:s17] =	ssyncset.done $0x0  }
0xea: {  	[sflag:s17] =	ssyncadd.s32 $0xFFFFD800  }
0xeb: {  	[spmem:s4] =	stream.indirect.scatter.add.f32 [tilespmem:s14], [sflag:$0x5], $0x80, s24, s12, $0xb8;
	[tilespmem:$0x1D800] =	vst v63  }
0xec: {  	_ =	swait.ge [sflag:s18], $0x2800  }
0xed: {  	[sflag:s18] =	ssyncset.done $0x0  }
0xee: {  	[sflag:s18] =	ssyncadd.s32 $0xFFFFD800  }
0xef: {  	[tilespmem:s13], [sflag:$0x1] =	stream.indirect.gather [hbm4b:s1+s12], $0x80, s25, s12, $0xb8;
	[tilespmem:$0x1D800] =	vst v63  }
0xf0: {  	_ =	swait.ge [sflag:s19], $0x2800  }
0xf1: {  	[sflag:s19] =	ssyncset.done $0x0  }
0xf2: {  	[sflag:s19] =	ssyncadd.s32 $0xFFFFD800  }
0xf3: {  	[spmem:s4] =	stream.indirect.scatter.add.f32 [tilespmem:s16], [sflag:$0x6], $0x80, s26, s12, $0xb8;
	[tilespmem:$0x1D800] =	vst v63  }
0xf4: {  	_ =	swait.ge [sflag:s20], $0x2800  }
0xf5: {  	[sflag:s20] =	ssyncset.done $0x0  }
0xf6: {  	[sflag:s20] =	ssyncadd.s32 $0xFFFFD800  }
0xf7: {  	[tilespmem:s14], [sflag:$0x2] =	stream.indirect.gather [hbm4b:s1+s12], $0x80, s28, s12, $0xb8;
	[tilespmem:$0x1D800] =	vst v63  }
0xf8: {  	_ =	swait.ge [sflag:s15], $0x2800  }
0xf9: {  	[sflag:s15] =	ssyncset.done $0x0  }
0xfa: {  	[sflag:s15] =	ssyncadd.s32 $0xFFFFD800  }
0xfb: {  	[spmem:s4] =	stream.indirect.scatter.add.f32 [tilespmem:s13], [sflag:$0x4], $0x80, s29, s12, $0xb8;
	[tilespmem:$0x1D800] =	vst v63  }
0xfc: {  	_ =	swait.ge [sflag:s21], $0x2800  }
0xfd: {  	[sflag:s21] =	ssyncset.done $0x0  }
0xfe: {  	[sflag:s21] =	ssyncadd.s32 $0xFFFFD800  }
0xff: {  	[tilespmem:s16], [sflag:$0x3] =	stream.indirect.gather [hbm4b:s1+s12], $0x80, s30, s12, $0xb8;
	[tilespmem:$0x1D800] =	vst v63  }
0x100: {  	_ =	swait.ge [sflag:s17], $0x2800  }
0x101: {  	[sflag:s17] =	ssyncset.done $0x0  }
0x102: {  	[sflag:s17] =	ssyncadd.s32 $0xFFFFD800  }
0x103: {  	[spmem:s4] =	stream.indirect.scatter.add.f32 [tilespmem:s14], [sflag:$0x5], $0x80, s31, s12, $0xb8;
	[tilespmem:$0x1D800] =	vst v63  }
0x104: {  	_ =	swait.ge [sflag:s18], $0x2800  }
0x105: {  	[sflag:s18] =	ssyncset.done $0x0  }
0x106: {  	[sflag:s18] =	ssyncadd.s32 $0xFFFFD800  }
0x107: {  	[tilespmem:s13], [sflag:$0x1] =	stream.indirect.gather [hbm4b:s1+s12], $0x80, s2, s12, $0xb8;
	[tilespmem:$0x1D800] =	vst v63  }
0x108: {  	_ =	swait.ge [sflag:s19], $0x2800  }
0x109: {  	[sflag:s19] =	ssyncset.done $0x0  }
0x10a: {  	[sflag:s19] =	ssyncadd.s32 $0xFFFFD800  }
0x10b: {  	[spmem:s4] =	stream.indirect.scatter.add.f32 [tilespmem:s16], [sflag:$0x6], $0x80, s0, s12, $0xb8;
	[tilespmem:$0x1D800] =	vst v63  }
0x10c: {  	_ =	swait.ge [sflag:s20], $0x2800  }
0x10d: {  	[sflag:s20] =	ssyncset.done $0x0  }
0x10e: {  	[sflag:s20] =	ssyncadd.s32 $0xFFFFD800  }
0x10f: {  	_ =	swait.ge [sflag:s15], $0x2800  }
0x110: {  	[sflag:s15] =	ssyncset.done $0x0  }
0x111: {  	[sflag:s15] =	ssyncadd.s32 $0xFFFFD800  }
0x112: {  	[spmem:s4] =	stream.indirect.scatter.add.f32 [tilespmem:s13], [sflag:$0x4], $0x80, s3, s12, $0xb8;
	[tilespmem:$0x1D800] =	vst v63  }
0x113: {  	_ =	swait.ge [sflag:s21], $0x2800  }
0x114: {  	[sflag:s21] =	ssyncset.done $0x0  }
0x115: {  	[sflag:s21] =	ssyncadd.s32 $0xFFFFD800  }
0x116: {  	s6 =	simm.s32 $0x400;
	_ =	swait.ge [sflag:s18], $0x2800  }
0x117: {  	s8 =	simm.s32 $0x200;
	s9 =	rddreg [dreg:$0x7];
	[sflag:s18] =	ssyncset.done $0x0  }
.LBB2_2:
0x118: {  	[sflag:s18] =	ssyncadd.s32 $0xFFFFD800;
	s9 =	sadd.s32 s8, s9  }
0x119: {  	[tilespmem:s5], [sflag:$0x7] =	stream.linear.gather [hbm4b:s9+s5], $0xC80, $0x38;
	[tilespmem:$0x1D800] =	vst v63  }
0x11a: {  	_ =	swait.ge [sflag:s10], $0xC80  }
0x11b: {  	s9 =	rddreg [dreg:$0x6];
	[sflag:s10] =	ssyncset.done $0x0  }
0x11c: {  	[sflag:s10] =	ssyncadd.s32 $0xFFFFF380;
	s9 =	sadd.s32 s8, s9  }
0x11d: {  	[tilespmem:s11], [sflag:$0x7] =	stream.linear.gather [hbm4b:s9+s5], $0xC80, $0x38;
	[tilespmem:$0x1D800] =	vst v63  }
0x11e: {  	_ =	swait.ge [sflag:s10], $0xC80  }
0x11f: {  	[sflag:s10] =	ssyncset.done $0x0  }
0x120: {  	[sflag:s10] =	ssyncadd.s32 $0xFFFFF380  }
0x121: {  	[tilespmem:s13], [sflag:$0x1] =	stream.indirect.gather [hbm4b:s1+s12], $0x80, s5, s12, $0xb8;
	[tilespmem:$0x1D800] =	vst v63  }
0x122: {  	s9 =	rddreg [dreg:$0x8]  }
0x123: {  	[tilespmem:s14], [sflag:$0x2] =	stream.indirect.gather [hbm4b:s1+s12], $0x80, s9, s12, $0xb8;
	[tilespmem:$0x1D800] =	vst v63  }
0x124: {  	_ =	swait.ge [sflag:s15], $0x2800  }
0x125: {  	[sflag:s15] =	ssyncset.done $0x0  }
0x126: {  	[sflag:s15] =	ssyncadd.s32 $0xFFFFD800  }
0x127: {  	[spmem:s4] =	stream.indirect.scatter.add.f32 [tilespmem:s13], [sflag:$0x4], $0x80, s11, s12, $0xb8;
	[tilespmem:$0x1D800] =	vst v63  }
0x128: {  	s9 =	rddreg [dreg:$0x9]  }
0x129: {  	[tilespmem:s16], [sflag:$0x3] =	stream.indirect.gather [hbm4b:s1+s12], $0x80, s9, s12, $0xb8;
	[tilespmem:$0x1D800] =	vst v63  }
0x12a: {  	_ =	swait.ge [sflag:s17], $0x2800  }
0x12b: {  	[sflag:s17] =	ssyncset.done $0x0  }
0x12c: {  	s9 =	rddreg [dreg:$0xa];
	[sflag:s17] =	ssyncadd.s32 $0xFFFFD800  }
0x12d: {  	[spmem:s4] =	stream.indirect.scatter.add.f32 [tilespmem:s14], [sflag:$0x5], $0x80, s9, s12, $0xb8;
	[tilespmem:$0x1D800] =	vst v63  }
0x12e: {  	_ =	swait.ge [sflag:s18], $0x2800  }
0x12f: {  	[sflag:s18] =	ssyncset.done $0x0  }
0x130: {  	s9 =	rddreg [dreg:$0xb];
	[sflag:s18] =	ssyncadd.s32 $0xFFFFD800  }
0x131: {  	[tilespmem:s13], [sflag:$0x1] =	stream.indirect.gather [hbm4b:s1+s12], $0x80, s9, s12, $0xb8;
	[tilespmem:$0x1D800] =	vst v63  }
0x132: {  	_ =	swait.ge [sflag:s19], $0x2800  }
0x133: {  	[sflag:s19] =	ssyncset.done $0x0  }
0x134: {  	s9 =	rddreg [dreg:$0xc];
	[sflag:s19] =	ssyncadd.s32 $0xFFFFD800  }
0x135: {  	[spmem:s4] =	stream.indirect.scatter.add.f32 [tilespmem:s16], [sflag:$0x6], $0x80, s9, s12, $0xb8;
	[tilespmem:$0x1D800] =	vst v63  }
0x136: {  	_ =	swait.ge [sflag:s20], $0x2800  }
0x137: {  	[sflag:s20] =	ssyncset.done $0x0  }
0x138: {  	s9 =	rddreg [dreg:$0xd];
	[sflag:s20] =	ssyncadd.s32 $0xFFFFD800  }
0x139: {  	[tilespmem:s14], [sflag:$0x2] =	stream.indirect.gather [hbm4b:s1+s12], $0x80, s9, s12, $0xb8;
	[tilespmem:$0x1D800] =	vst v63  }
0x13a: {  	_ =	swait.ge [sflag:s15], $0x2800  }
0x13b: {  	[sflag:s15] =	ssyncset.done $0x0  }
0x13c: {  	s9 =	rddreg [dreg:$0xe];
	[sflag:s15] =	ssyncadd.s32 $0xFFFFD800  }
0x13d: {  	[spmem:s4] =	stream.indirect.scatter.add.f32 [tilespmem:s13], [sflag:$0x4], $0x80, s9, s12, $0xb8;
	[tilespmem:$0x1D800] =	vst v63  }
0x13e: {  	_ =	swait.ge [sflag:s21], $0x2800  }
0x13f: {  	[sflag:s21] =	ssyncset.done $0x0  }
0x140: {  	s9 =	rddreg [dreg:$0xf];
	[sflag:s21] =	ssyncadd.s32 $0xFFFFD800  }
0x141: {  	[tilespmem:s16], [sflag:$0x3] =	stream.indirect.gather [hbm4b:s1+s12], $0x80, s9, s12, $0xb8;
	[tilespmem:$0x1D800] =	vst v63  }
0x142: {  	_ =	swait.ge [sflag:s17], $0x2800  }
0x143: {  	[sflag:s17] =	ssyncset.done $0x0  }
0x144: {  	s9 =	rddreg [dreg:$0x10];
	[sflag:s17] =	ssyncadd.s32 $0xFFFFD800  }
0x145: {  	[spmem:s4] =	stream.indirect.scatter.add.f32 [tilespmem:s14], [sflag:$0x5], $0x80, s9, s12, $0xb8;
	[tilespmem:$0x1D800] =	vst v63  }
0x146: {  	_ =	swait.ge [sflag:s18], $0x2800  }
0x147: {  	[sflag:s18] =	ssyncset.done $0x0  }
0x148: {  	s9 =	rddreg [dreg:$0x11];
	[sflag:s18] =	ssyncadd.s32 $0xFFFFD800  }
0x149: {  	[tilespmem:s13], [sflag:$0x1] =	stream.indirect.gather [hbm4b:s1+s12], $0x80, s9, s12, $0xb8;
	[tilespmem:$0x1D800] =	vst v63  }
0x14a: {  	_ =	swait.ge [sflag:s19], $0x2800  }
0x14b: {  	[sflag:s19] =	ssyncset.done $0x0  }
0x14c: {  	s9 =	rddreg [dreg:$0x12];
	[sflag:s19] =	ssyncadd.s32 $0xFFFFD800  }
0x14d: {  	[spmem:s4] =	stream.indirect.scatter.add.f32 [tilespmem:s16], [sflag:$0x6], $0x80, s9, s12, $0xb8;
	[tilespmem:$0x1D800] =	vst v63  }
0x14e: {  	_ =	swait.ge [sflag:s20], $0x2800  }
0x14f: {  	[sflag:s20] =	ssyncset.done $0x0  }
0x150: {  	s9 =	rddreg [dreg:$0x13];
	[sflag:s20] =	ssyncadd.s32 $0xFFFFD800  }
0x151: {  	[tilespmem:s14], [sflag:$0x2] =	stream.indirect.gather [hbm4b:s1+s12], $0x80, s9, s12, $0xb8;
	[tilespmem:$0x1D800] =	vst v63  }
0x152: {  	_ =	swait.ge [sflag:s15], $0x2800  }
0x153: {  	[sflag:s15] =	ssyncset.done $0x0  }
0x154: {  	s9 =	rddreg [dreg:$0x14];
	[sflag:s15] =	ssyncadd.s32 $0xFFFFD800  }
0x155: {  	[spmem:s4] =	stream.indirect.scatter.add.f32 [tilespmem:s13], [sflag:$0x4], $0x80, s9, s12, $0xb8;
	[tilespmem:$0x1D800] =	vst v63  }
0x156: {  	_ =	swait.ge [sflag:s21], $0x2800  }
0x157: {  	[sflag:s21] =	ssyncset.done $0x0  }
0x158: {  	s9 =	rddreg [dreg:$0x15];
	[sflag:s21] =	ssyncadd.s32 $0xFFFFD800  }
0x159: {  	[tilespmem:s16], [sflag:$0x3] =	stream.indirect.gather [hbm4b:s1+s12], $0x80, s9, s12, $0xb8;
	[tilespmem:$0x1D800] =	vst v63  }
0x15a: {  	_ =	swait.ge [sflag:s17], $0x2800  }
0x15b: {  	[sflag:s17] =	ssyncset.done $0x0  }
0x15c: {  	s9 =	rddreg [dreg:$0x16];
	[sflag:s17] =	ssyncadd.s32 $0xFFFFD800  }
0x15d: {  	[spmem:s4] =	stream.indirect.scatter.add.f32 [tilespmem:s14], [sflag:$0x5], $0x80, s9, s12, $0xb8;
	[tilespmem:$0x1D800] =	vst v63  }
0x15e: {  	_ =	swait.ge [sflag:s18], $0x2800  }
0x15f: {  	[sflag:s18] =	ssyncset.done $0x0  }
0x160: {  	s9 =	rddreg [dreg:$0x17];
	[sflag:s18] =	ssyncadd.s32 $0xFFFFD800  }
0x161: {  	[tilespmem:s13], [sflag:$0x1] =	stream.indirect.gather [hbm4b:s1+s12], $0x80, s9, s12, $0xb8;
	[tilespmem:$0x1D800] =	vst v63  }
0x162: {  	_ =	swait.ge [sflag:s19], $0x2800  }
0x163: {  	[sflag:s19] =	ssyncset.done $0x0  }
0x164: {  	s9 =	rddreg [dreg:$0x18];
	[sflag:s19] =	ssyncadd.s32 $0xFFFFD800  }
0x165: {  	[spmem:s4] =	stream.indirect.scatter.add.f32 [tilespmem:s16], [sflag:$0x6], $0x80, s9, s12, $0xb8;
	[tilespmem:$0x1D800] =	vst v63  }
0x166: {  	_ =	swait.ge [sflag:s20], $0x2800  }
0x167: {  	[sflag:s20] =	ssyncset.done $0x0  }
0x168: {  	s9 =	rddreg [dreg:$0x19];
	[sflag:s20] =	ssyncadd.s32 $0xFFFFD800  }
0x169: {  	[tilespmem:s14], [sflag:$0x2] =	stream.indirect.gather [hbm4b:s1+s12], $0x80, s9, s12, $0xb8;
	[tilespmem:$0x1D800] =	vst v63  }
0x16a: {  	_ =	swait.ge [sflag:s15], $0x2800  }
0x16b: {  	[sflag:s15] =	ssyncset.done $0x0  }
0x16c: {  	s9 =	rddreg [dreg:$0x1a];
	[sflag:s15] =	ssyncadd.s32 $0xFFFFD800  }
0x16d: {  	[spmem:s4] =	stream.indirect.scatter.add.f32 [tilespmem:s13], [sflag:$0x4], $0x80, s9, s12, $0xb8;
	[tilespmem:$0x1D800] =	vst v63  }
0x16e: {  	_ =	swait.ge [sflag:s21], $0x2800  }
0x16f: {  	[sflag:s21] =	ssyncset.done $0x0  }
0x170: {  	s9 =	rddreg [dreg:$0x1b];
	[sflag:s21] =	ssyncadd.s32 $0xFFFFD800  }
0x171: {  	[tilespmem:s16], [sflag:$0x3] =	stream.indirect.gather [hbm4b:s1+s12], $0x80, s9, s12, $0xb8;
	[tilespmem:$0x1D800] =	vst v63  }
0x172: {  	_ =	swait.ge [sflag:s17], $0x2800  }
0x173: {  	[sflag:s17] =	ssyncset.done $0x0  }
0x174: {  	s9 =	rddreg [dreg:$0x1c];
	[sflag:s17] =	ssyncadd.s32 $0xFFFFD800  }
0x175: {  	[spmem:s4] =	stream.indirect.scatter.add.f32 [tilespmem:s14], [sflag:$0x5], $0x80, s9, s12, $0xb8;
	[tilespmem:$0x1D800] =	vst v63  }
0x176: {  	_ =	swait.ge [sflag:s18], $0x2800  }
0x177: {  	[sflag:s18] =	ssyncset.done $0x0  }
0x178: {  	s9 =	rddreg [dreg:$0x1d];
	[sflag:s18] =	ssyncadd.s32 $0xFFFFD800  }
0x179: {  	[tilespmem:s13], [sflag:$0x1] =	stream.indirect.gather [hbm4b:s1+s12], $0x80, s9, s12, $0xb8;
	[tilespmem:$0x1D800] =	vst v63  }
0x17a: {  	_ =	swait.ge [sflag:s19], $0x2800  }
0x17b: {  	[sflag:s19] =	ssyncset.done $0x0  }
0x17c: {  	s9 =	rddreg [dreg:$0x1e];
	[sflag:s19] =	ssyncadd.s32 $0xFFFFD800  }
0x17d: {  	[spmem:s4] =	stream.indirect.scatter.add.f32 [tilespmem:s16], [sflag:$0x6], $0x80, s9, s12, $0xb8;
	[tilespmem:$0x1D800] =	vst v63  }
0x17e: {  	_ =	swait.ge [sflag:s20], $0x2800  }
0x17f: {  	[sflag:s20] =	ssyncset.done $0x0  }
0x180: {  	s9 =	rddreg [dreg:$0x1f];
	[sflag:s20] =	ssyncadd.s32 $0xFFFFD800  }
0x181: {  	[tilespmem:s14], [sflag:$0x2] =	stream.indirect.gather [hbm4b:s1+s12], $0x80, s9, s12, $0xb8;
	[tilespmem:$0x1D800] =	vst v63  }
0x182: {  	_ =	swait.ge [sflag:s15], $0x2800  }
0x183: {  	s9 =	sld [smem:$0x7F0]  }
0x184: {  	[sflag:s15] =	ssyncset.done $0x0  }
0x185: {  	[sflag:s15] =	ssyncadd.s32 $0xFFFFD800  }
0x186: {  	[spmem:s4] =	stream.indirect.scatter.add.f32 [tilespmem:s13], [sflag:$0x4], $0x80, s9, s12, $0xb8;
	[tilespmem:$0x1D800] =	vst v63  }
0x187: {  	_ =	swait.ge [sflag:s21], $0x2800  }
0x188: {  	s9 =	sld [smem:$0x7F1]  }
0x189: {  	[sflag:s21] =	ssyncset.done $0x0  }
0x18a: {  	[sflag:s21] =	ssyncadd.s32 $0xFFFFD800  }
0x18b: {  	[tilespmem:s16], [sflag:$0x3] =	stream.indirect.gather [hbm4b:s1+s12], $0x80, s9, s12, $0xb8;
	[tilespmem:$0x1D800] =	vst v63  }
0x18c: {  	_ =	swait.ge [sflag:s17], $0x2800  }
0x18d: {  	s9 =	sld [smem:$0x7F2]  }
0x18e: {  	[sflag:s17] =	ssyncset.done $0x0  }
0x18f: {  	[sflag:s17] =	ssyncadd.s32 $0xFFFFD800  }
0x190: {  	[spmem:s4] =	stream.indirect.scatter.add.f32 [tilespmem:s14], [sflag:$0x5], $0x80, s9, s12, $0xb8;
	[tilespmem:$0x1D800] =	vst v63  }
0x191: {  	_ =	swait.ge [sflag:s18], $0x2800  }
0x192: {  	s9 =	sld [smem:$0x7F3]  }
0x193: {  	[sflag:s18] =	ssyncset.done $0x0  }
0x194: {  	[sflag:s18] =	ssyncadd.s32 $0xFFFFD800  }
0x195: {  	[tilespmem:s13], [sflag:$0x1] =	stream.indirect.gather [hbm4b:s1+s12], $0x80, s9, s12, $0xb8;
	[tilespmem:$0x1D800] =	vst v63  }
0x196: {  	_ =	swait.ge [sflag:s19], $0x2800  }
0x197: {  	s9 =	sld [smem:$0x7F4]  }
0x198: {  	[sflag:s19] =	ssyncset.done $0x0  }
0x199: {  	[sflag:s19] =	ssyncadd.s32 $0xFFFFD800  }
0x19a: {  	[spmem:s4] =	stream.indirect.scatter.add.f32 [tilespmem:s16], [sflag:$0x6], $0x80, s9, s12, $0xb8;
	[tilespmem:$0x1D800] =	vst v63  }
0x19b: {  	_ =	swait.ge [sflag:s20], $0x2800  }
0x19c: {  	s9 =	sld [smem:$0x7F5]  }
0x19d: {  	[sflag:s20] =	ssyncset.done $0x0  }
0x19e: {  	[sflag:s20] =	ssyncadd.s32 $0xFFFFD800  }
0x19f: {  	[tilespmem:s14], [sflag:$0x2] =	stream.indirect.gather [hbm4b:s1+s12], $0x80, s9, s12, $0xb8;
	[tilespmem:$0x1D800] =	vst v63  }
0x1a0: {  	_ =	swait.ge [sflag:s15], $0x2800  }
0x1a1: {  	s9 =	sld [smem:$0x7F6]  }
0x1a2: {  	[sflag:s15] =	ssyncset.done $0x0  }
0x1a3: {  	[sflag:s15] =	ssyncadd.s32 $0xFFFFD800  }
0x1a4: {  	[spmem:s4] =	stream.indirect.scatter.add.f32 [tilespmem:s13], [sflag:$0x4], $0x80, s9, s12, $0xb8;
	[tilespmem:$0x1D800] =	vst v63  }
0x1a5: {  	_ =	swait.ge [sflag:s21], $0x2800  }
0x1a6: {  	s9 =	sld [smem:$0x7F7]  }
0x1a7: {  	[sflag:s21] =	ssyncset.done $0x0  }
0x1a8: {  	[sflag:s21] =	ssyncadd.s32 $0xFFFFD800  }
0x1a9: {  	[tilespmem:s16], [sflag:$0x3] =	stream.indirect.gather [hbm4b:s1+s12], $0x80, s9, s12, $0xb8;
	[tilespmem:$0x1D800] =	vst v63  }
0x1aa: {  	_ =	swait.ge [sflag:s17], $0x2800  }
0x1ab: {  	s9 =	sld [smem:$0x7F8]  }
0x1ac: {  	[sflag:s17] =	ssyncset.done $0x0  }
0x1ad: {  	[sflag:s17] =	ssyncadd.s32 $0xFFFFD800  }
0x1ae: {  	[spmem:s4] =	stream.indirect.scatter.add.f32 [tilespmem:s14], [sflag:$0x5], $0x80, s9, s12, $0xb8;
	[tilespmem:$0x1D800] =	vst v63  }
0x1af: {  	_ =	swait.ge [sflag:s18], $0x2800  }
0x1b0: {  	s9 =	sld [smem:$0x7F9]  }
0x1b1: {  	[sflag:s18] =	ssyncset.done $0x0  }
0x1b2: {  	[sflag:s18] =	ssyncadd.s32 $0xFFFFD800  }
0x1b3: {  	[tilespmem:s13], [sflag:$0x1] =	stream.indirect.gather [hbm4b:s1+s12], $0x80, s9, s12, $0xb8;
	[tilespmem:$0x1D800] =	vst v63  }
0x1b4: {  	_ =	swait.ge [sflag:s19], $0x2800  }
0x1b5: {  	s9 =	sld [smem:$0x7FA]  }
0x1b6: {  	[sflag:s19] =	ssyncset.done $0x0  }
0x1b7: {  	[sflag:s19] =	ssyncadd.s32 $0xFFFFD800  }
0x1b8: {  	[spmem:s4] =	stream.indirect.scatter.add.f32 [tilespmem:s16], [sflag:$0x6], $0x80, s9, s12, $0xb8;
	[tilespmem:$0x1D800] =	vst v63  }
0x1b9: {  	_ =	swait.ge [sflag:s20], $0x2800  }
0x1ba: {  	s9 =	sld [smem:$0x7FB]  }
0x1bb: {  	[sflag:s20] =	ssyncset.done $0x0  }
0x1bc: {  	[sflag:s20] =	ssyncadd.s32 $0xFFFFD800  }
0x1bd: {  	[tilespmem:s14], [sflag:$0x2] =	stream.indirect.gather [hbm4b:s1+s12], $0x80, s9, s12, $0xb8;
	[tilespmem:$0x1D800] =	vst v63  }
0x1be: {  	_ =	swait.ge [sflag:s15], $0x2800  }
0x1bf: {  	[sflag:s15] =	ssyncset.done $0x0  }
0x1c0: {  	[sflag:s15] =	ssyncadd.s32 $0xFFFFD800  }
0x1c1: {  	[spmem:s4] =	stream.indirect.scatter.add.f32 [tilespmem:s13], [sflag:$0x4], $0x80, s22, s12, $0xb8;
	[tilespmem:$0x1D800] =	vst v63  }
0x1c2: {  	_ =	swait.ge [sflag:s21], $0x2800  }
0x1c3: {  	[sflag:s21] =	ssyncset.done $0x0  }
0x1c4: {  	[sflag:s21] =	ssyncadd.s32 $0xFFFFD800  }
0x1c5: {  	[tilespmem:s16], [sflag:$0x3] =	stream.indirect.gather [hbm4b:s1+s12], $0x80, s23, s12, $0xb8;
	[tilespmem:$0x1D800] =	vst v63  }
0x1c6: {  	_ =	swait.ge [sflag:s17], $0x2800  }
0x1c7: {  	[sflag:s17] =	ssyncset.done $0x0  }
0x1c8: {  	[sflag:s17] =	ssyncadd.s32 $0xFFFFD800  }
0x1c9: {  	[spmem:s4] =	stream.indirect.scatter.add.f32 [tilespmem:s14], [sflag:$0x5], $0x80, s24, s12, $0xb8;
	[tilespmem:$0x1D800] =	vst v63  }
0x1ca: {  	_ =	swait.ge [sflag:s18], $0x2800  }
0x1cb: {  	[sflag:s18] =	ssyncset.done $0x0  }
0x1cc: {  	[sflag:s18] =	ssyncadd.s32 $0xFFFFD800  }
0x1cd: {  	[tilespmem:s13], [sflag:$0x1] =	stream.indirect.gather [hbm4b:s1+s12], $0x80, s25, s12, $0xb8;
	[tilespmem:$0x1D800] =	vst v63  }
0x1ce: {  	_ =	swait.ge [sflag:s19], $0x2800  }
0x1cf: {  	[sflag:s19] =	ssyncset.done $0x0  }
0x1d0: {  	[sflag:s19] =	ssyncadd.s32 $0xFFFFD800  }
0x1d1: {  	[spmem:s4] =	stream.indirect.scatter.add.f32 [tilespmem:s16], [sflag:$0x6], $0x80, s26, s12, $0xb8;
	[tilespmem:$0x1D800] =	vst v63  }
0x1d2: {  	_ =	swait.ge [sflag:s20], $0x2800  }
0x1d3: {  	[sflag:s20] =	ssyncset.done $0x0  }
0x1d4: {  	[sflag:s20] =	ssyncadd.s32 $0xFFFFD800  }
0x1d5: {  	[tilespmem:s14], [sflag:$0x2] =	stream.indirect.gather [hbm4b:s1+s12], $0x80, s28, s12, $0xb8;
	[tilespmem:$0x1D800] =	vst v63  }
0x1d6: {  	_ =	swait.ge [sflag:s15], $0x2800  }
0x1d7: {  	[sflag:s15] =	ssyncset.done $0x0  }
0x1d8: {  	[sflag:s15] =	ssyncadd.s32 $0xFFFFD800  }
0x1d9: {  	[spmem:s4] =	stream.indirect.scatter.add.f32 [tilespmem:s13], [sflag:$0x4], $0x80, s29, s12, $0xb8;
	[tilespmem:$0x1D800] =	vst v63  }
0x1da: {  	_ =	swait.ge [sflag:s21], $0x2800  }
0x1db: {  	[sflag:s21] =	ssyncset.done $0x0  }
0x1dc: {  	[sflag:s21] =	ssyncadd.s32 $0xFFFFD800  }
0x1dd: {  	[tilespmem:s16], [sflag:$0x3] =	stream.indirect.gather [hbm4b:s1+s12], $0x80, s30, s12, $0xb8;
	[tilespmem:$0x1D800] =	vst v63  }
0x1de: {  	_ =	swait.ge [sflag:s17], $0x2800  }
0x1df: {  	[sflag:s17] =	ssyncset.done $0x0  }
0x1e0: {  	[sflag:s17] =	ssyncadd.s32 $0xFFFFD800  }
0x1e1: {  	[spmem:s4] =	stream.indirect.scatter.add.f32 [tilespmem:s14], [sflag:$0x5], $0x80, s31, s12, $0xb8;
	[tilespmem:$0x1D800] =	vst v63  }
0x1e2: {  	_ =	swait.ge [sflag:s18], $0x2800  }
0x1e3: {  	[sflag:s18] =	ssyncset.done $0x0  }
0x1e4: {  	[sflag:s18] =	ssyncadd.s32 $0xFFFFD800  }
0x1e5: {  	[tilespmem:s13], [sflag:$0x1] =	stream.indirect.gather [hbm4b:s1+s12], $0x80, s2, s12, $0xb8;
	[tilespmem:$0x1D800] =	vst v63  }
0x1e6: {  	_ =	swait.ge [sflag:s19], $0x2800  }
0x1e7: {  	[sflag:s19] =	ssyncset.done $0x0  }
0x1e8: {  	[sflag:s19] =	ssyncadd.s32 $0xFFFFD800  }
0x1e9: {  	[spmem:s4] =	stream.indirect.scatter.add.f32 [tilespmem:s16], [sflag:$0x6], $0x80, s0, s12, $0xb8;
	[tilespmem:$0x1D800] =	vst v63  }
0x1ea: {  	_ =	swait.ge [sflag:s20], $0x2800  }
0x1eb: {  	[sflag:s20] =	ssyncset.done $0x0  }
0x1ec: {  	[sflag:s20] =	ssyncadd.s32 $0xFFFFD800  }
0x1ed: {  	_ =	swait.ge [sflag:s15], $0x2800  }
0x1ee: {  	[sflag:s15] =	ssyncset.done $0x0  }
0x1ef: {  	p0 =	sne.s32 s6, $0x800;
	[sflag:s15] =	ssyncadd.s32 $0xFFFFD800  }
0x1f0: {  	[spmem:s4] =	stream.indirect.scatter.add.f32 [tilespmem:s13], [sflag:$0x4], $0x80, s3, s12, $0xb8;
	[tilespmem:$0x1D800] =	vst v63  }
.Ltmp0:
0x1f1: {  	_ =	swait.ge [sflag:s21], $0x2800;
	(pc) =	sbr.rel @p0 .LBB2_2-.Ltmp0, $4  }
0x1f2: {  	[sflag:s21] =	ssyncset.done $0x0  }
0x1f3: {  	[sflag:s21] =	ssyncadd.s32 $0xFFFFD800  }
0x1f4: {  	s7 =	smov.u32 s6;
	s6 =	sadd.s32 $0x200, s6;
	_ =	swait.ge [sflag:s18], $0x2800  }
0x1f5: {  	s8 =	smov.u32 s7;
	s9 =	rddreg [dreg:$0x7];
	[sflag:s18] =	ssyncset.done $0x0  }
0x1f6: {  	[sflag:s18] =	ssyncadd.s32 $0xFFFFD800;
	s6 =	sadd.s32 s8, s9  }
0x1f7: {  	[tilespmem:s5], [sflag:$0x7] =	stream.linear.gather [hbm4b:s6+s5], $0xC80, $0x38;
	[tilespmem:$0x1D800] =	vst v63  }
0x1f8: {  	_ =	swait.ge [sflag:s10], $0xC80  }
0x1f9: {  	s7 =	rddreg [dreg:$0x6];
	[sflag:s10] =	ssyncset.done $0x0  }
0x1fa: {  	s6 =	sadd.s32 s8, s7;
	[sflag:s10] =	ssyncadd.s32 $0xFFFFF380  }
0x1fb: {  	[tilespmem:s11], [sflag:$0x7] =	stream.linear.gather [hbm4b:s6+s5], $0xC80, $0x38;
	[tilespmem:$0x1D800] =	vst v63  }
0x1fc: {  	_ =	swait.ge [sflag:s10], $0xC80  }
0x1fd: {  	[sflag:s10] =	ssyncset.done $0x0  }
0x1fe: {  	[sflag:s10] =	ssyncadd.s32 $0xFFFFF380  }
0x1ff: {  	[tilespmem:s13], [sflag:$0x1] =	stream.indirect.gather [hbm4b:s1+s12], $0x80, s5, s12, $0xb8;
	[tilespmem:$0x1D800] =	vst v63  }
0x200: {  	s9 =	rddreg [dreg:$0x8]  }
0x201: {  	[tilespmem:s14], [sflag:$0x2] =	stream.indirect.gather [hbm4b:s1+s12], $0x80, s9, s12, $0xb8;
	[tilespmem:$0x1D800] =	vst v63  }
0x202: {  	_ =	swait.ge [sflag:s15], $0x2800  }
0x203: {  	[sflag:s15] =	ssyncset.done $0x0  }
0x204: {  	[sflag:s15] =	ssyncadd.s32 $0xFFFFD800  }
0x205: {  	[spmem:s4] =	stream.indirect.scatter.add.f32 [tilespmem:s13], [sflag:$0x4], $0x80, s11, s12, $0xb8;
	[tilespmem:$0x1D800] =	vst v63  }
0x206: {  	s7 =	rddreg [dreg:$0x9]  }
0x207: {  	[tilespmem:s16], [sflag:$0x3] =	stream.indirect.gather [hbm4b:s1+s12], $0x80, s7, s12, $0xb8;
	[tilespmem:$0x1D800] =	vst v63  }
0x208: {  	_ =	swait.ge [sflag:s17], $0x2800  }
0x209: {  	[sflag:s17] =	ssyncset.done $0x0  }
0x20a: {  	s8 =	rddreg [dreg:$0xa];
	[sflag:s17] =	ssyncadd.s32 $0xFFFFD800  }
0x20b: {  	[spmem:s4] =	stream.indirect.scatter.add.f32 [tilespmem:s14], [sflag:$0x5], $0x80, s8, s12, $0xb8;
	[tilespmem:$0x1D800] =	vst v63  }
0x20c: {  	_ =	swait.ge [sflag:s18], $0x2800  }
0x20d: {  	[sflag:s18] =	ssyncset.done $0x0  }
0x20e: {  	s9 =	rddreg [dreg:$0xb];
	[sflag:s18] =	ssyncadd.s32 $0xFFFFD800  }
0x20f: {  	[tilespmem:s13], [sflag:$0x1] =	stream.indirect.gather [hbm4b:s1+s12], $0x80, s9, s12, $0xb8;
	[tilespmem:$0x1D800] =	vst v63  }
0x210: {  	_ =	swait.ge [sflag:s19], $0x2800  }
0x211: {  	[sflag:s19] =	ssyncset.done $0x0  }
0x212: {  	s7 =	rddreg [dreg:$0xc];
	[sflag:s19] =	ssyncadd.s32 $0xFFFFD800  }
0x213: {  	[spmem:s4] =	stream.indirect.scatter.add.f32 [tilespmem:s16], [sflag:$0x6], $0x80, s7, s12, $0xb8;
	[tilespmem:$0x1D800] =	vst v63  }
0x214: {  	_ =	swait.ge [sflag:s20], $0x2800  }
0x215: {  	[sflag:s20] =	ssyncset.done $0x0  }
0x216: {  	s8 =	rddreg [dreg:$0xd];
	[sflag:s20] =	ssyncadd.s32 $0xFFFFD800  }
0x217: {  	[tilespmem:s14], [sflag:$0x2] =	stream.indirect.gather [hbm4b:s1+s12], $0x80, s8, s12, $0xb8;
	[tilespmem:$0x1D800] =	vst v63  }
0x218: {  	_ =	swait.ge [sflag:s15], $0x2800  }
0x219: {  	[sflag:s15] =	ssyncset.done $0x0  }
0x21a: {  	s9 =	rddreg [dreg:$0xe];
	[sflag:s15] =	ssyncadd.s32 $0xFFFFD800  }
0x21b: {  	[spmem:s4] =	stream.indirect.scatter.add.f32 [tilespmem:s13], [sflag:$0x4], $0x80, s9, s12, $0xb8;
	[tilespmem:$0x1D800] =	vst v63  }
0x21c: {  	_ =	swait.ge [sflag:s21], $0x2800  }
0x21d: {  	[sflag:s21] =	ssyncset.done $0x0  }
0x21e: {  	s7 =	rddreg [dreg:$0xf];
	[sflag:s21] =	ssyncadd.s32 $0xFFFFD800  }
0x21f: {  	[tilespmem:s16], [sflag:$0x3] =	stream.indirect.gather [hbm4b:s1+s12], $0x80, s7, s12, $0xb8;
	[tilespmem:$0x1D800] =	vst v63  }
0x220: {  	_ =	swait.ge [sflag:s17], $0x2800  }
0x221: {  	[sflag:s17] =	ssyncset.done $0x0  }
0x222: {  	s8 =	rddreg [dreg:$0x10];
	[sflag:s17] =	ssyncadd.s32 $0xFFFFD800  }
0x223: {  	[spmem:s4] =	stream.indirect.scatter.add.f32 [tilespmem:s14], [sflag:$0x5], $0x80, s8, s12, $0xb8;
	[tilespmem:$0x1D800] =	vst v63  }
0x224: {  	_ =	swait.ge [sflag:s18], $0x2800  }
0x225: {  	[sflag:s18] =	ssyncset.done $0x0  }
0x226: {  	s9 =	rddreg [dreg:$0x11];
	[sflag:s18] =	ssyncadd.s32 $0xFFFFD800  }
0x227: {  	[tilespmem:s13], [sflag:$0x1] =	stream.indirect.gather [hbm4b:s1+s12], $0x80, s9, s12, $0xb8;
	[tilespmem:$0x1D800] =	vst v63  }
0x228: {  	_ =	swait.ge [sflag:s19], $0x2800  }
0x229: {  	[sflag:s19] =	ssyncset.done $0x0  }
0x22a: {  	s7 =	rddreg [dreg:$0x12];
	[sflag:s19] =	ssyncadd.s32 $0xFFFFD800  }
0x22b: {  	[spmem:s4] =	stream.indirect.scatter.add.f32 [tilespmem:s16], [sflag:$0x6], $0x80, s7, s12, $0xb8;
	[tilespmem:$0x1D800] =	vst v63  }
0x22c: {  	_ =	swait.ge [sflag:s20], $0x2800  }
0x22d: {  	[sflag:s20] =	ssyncset.done $0x0  }
0x22e: {  	s8 =	rddreg [dreg:$0x13];
	[sflag:s20] =	ssyncadd.s32 $0xFFFFD800  }
0x22f: {  	[tilespmem:s14], [sflag:$0x2] =	stream.indirect.gather [hbm4b:s1+s12], $0x80, s8, s12, $0xb8;
	[tilespmem:$0x1D800] =	vst v63  }
0x230: {  	_ =	swait.ge [sflag:s15], $0x2800  }
0x231: {  	[sflag:s15] =	ssyncset.done $0x0  }
0x232: {  	s9 =	rddreg [dreg:$0x14];
	[sflag:s15] =	ssyncadd.s32 $0xFFFFD800  }
0x233: {  	[spmem:s4] =	stream.indirect.scatter.add.f32 [tilespmem:s13], [sflag:$0x4], $0x80, s9, s12, $0xb8;
	[tilespmem:$0x1D800] =	vst v63  }
0x234: {  	_ =	swait.ge [sflag:s21], $0x2800  }
0x235: {  	[sflag:s21] =	ssyncset.done $0x0  }
0x236: {  	s7 =	rddreg [dreg:$0x15];
	[sflag:s21] =	ssyncadd.s32 $0xFFFFD800  }
0x237: {  	[tilespmem:s16], [sflag:$0x3] =	stream.indirect.gather [hbm4b:s1+s12], $0x80, s7, s12, $0xb8;
	[tilespmem:$0x1D800] =	vst v63  }
0x238: {  	_ =	swait.ge [sflag:s17], $0x2800  }
0x239: {  	[sflag:s17] =	ssyncset.done $0x0  }
0x23a: {  	s8 =	rddreg [dreg:$0x16];
	[sflag:s17] =	ssyncadd.s32 $0xFFFFD800  }
0x23b: {  	[spmem:s4] =	stream.indirect.scatter.add.f32 [tilespmem:s14], [sflag:$0x5], $0x80, s8, s12, $0xb8;
	[tilespmem:$0x1D800] =	vst v63  }
0x23c: {  	_ =	swait.ge [sflag:s18], $0x2800  }
0x23d: {  	[sflag:s18] =	ssyncset.done $0x0  }
0x23e: {  	s9 =	rddreg [dreg:$0x17];
	[sflag:s18] =	ssyncadd.s32 $0xFFFFD800  }
0x23f: {  	[tilespmem:s13], [sflag:$0x1] =	stream.indirect.gather [hbm4b:s1+s12], $0x80, s9, s12, $0xb8;
	[tilespmem:$0x1D800] =	vst v63  }
0x240: {  	_ =	swait.ge [sflag:s19], $0x2800  }
0x241: {  	[sflag:s19] =	ssyncset.done $0x0  }
0x242: {  	s7 =	rddreg [dreg:$0x18];
	[sflag:s19] =	ssyncadd.s32 $0xFFFFD800  }
0x243: {  	[spmem:s4] =	stream.indirect.scatter.add.f32 [tilespmem:s16], [sflag:$0x6], $0x80, s7, s12, $0xb8;
	[tilespmem:$0x1D800] =	vst v63  }
0x244: {  	_ =	swait.ge [sflag:s20], $0x2800  }
0x245: {  	[sflag:s20] =	ssyncset.done $0x0  }
0x246: {  	s8 =	rddreg [dreg:$0x19];
	[sflag:s20] =	ssyncadd.s32 $0xFFFFD800  }
0x247: {  	[tilespmem:s14], [sflag:$0x2] =	stream.indirect.gather [hbm4b:s1+s12], $0x80, s8, s12, $0xb8;
	[tilespmem:$0x1D800] =	vst v63  }
0x248: {  	_ =	swait.ge [sflag:s15], $0x2800  }
0x249: {  	[sflag:s15] =	ssyncset.done $0x0  }
0x24a: {  	s9 =	rddreg [dreg:$0x1a];
	[sflag:s15] =	ssyncadd.s32 $0xFFFFD800  }
0x24b: {  	[spmem:s4] =	stream.indirect.scatter.add.f32 [tilespmem:s13], [sflag:$0x4], $0x80, s9, s12, $0xb8;
	[tilespmem:$0x1D800] =	vst v63  }
0x24c: {  	_ =	swait.ge [sflag:s21], $0x2800  }
0x24d: {  	[sflag:s21] =	ssyncset.done $0x0  }
0x24e: {  	s7 =	rddreg [dreg:$0x1b];
	[sflag:s21] =	ssyncadd.s32 $0xFFFFD800  }
0x24f: {  	[tilespmem:s16], [sflag:$0x3] =	stream.indirect.gather [hbm4b:s1+s12], $0x80, s7, s12, $0xb8;
	[tilespmem:$0x1D800] =	vst v63  }
0x250: {  	_ =	swait.ge [sflag:s17], $0x2800  }
0x251: {  	[sflag:s17] =	ssyncset.done $0x0  }
0x252: {  	s8 =	rddreg [dreg:$0x1c];
	[sflag:s17] =	ssyncadd.s32 $0xFFFFD800  }
0x253: {  	[spmem:s4] =	stream.indirect.scatter.add.f32 [tilespmem:s14], [sflag:$0x5], $0x80, s8, s12, $0xb8;
	[tilespmem:$0x1D800] =	vst v63  }
0x254: {  	_ =	swait.ge [sflag:s18], $0x2800  }
0x255: {  	[sflag:s18] =	ssyncset.done $0x0  }
0x256: {  	s9 =	rddreg [dreg:$0x1d];
	[sflag:s18] =	ssyncadd.s32 $0xFFFFD800  }
0x257: {  	[tilespmem:s13], [sflag:$0x1] =	stream.indirect.gather [hbm4b:s1+s12], $0x80, s9, s12, $0xb8;
	[tilespmem:$0x1D800] =	vst v63  }
0x258: {  	_ =	swait.ge [sflag:s19], $0x2800  }
0x259: {  	[sflag:s19] =	ssyncset.done $0x0  }
0x25a: {  	s7 =	rddreg [dreg:$0x1e];
	[sflag:s19] =	ssyncadd.s32 $0xFFFFD800  }
0x25b: {  	[spmem:s4] =	stream.indirect.scatter.add.f32 [tilespmem:s16], [sflag:$0x6], $0x80, s7, s12, $0xb8;
	[tilespmem:$0x1D800] =	vst v63  }
0x25c: {  	_ =	swait.ge [sflag:s20], $0x2800  }
0x25d: {  	[sflag:s20] =	ssyncset.done $0x0  }
0x25e: {  	s8 =	rddreg [dreg:$0x1f];
	[sflag:s20] =	ssyncadd.s32 $0xFFFFD800  }
0x25f: {  	[tilespmem:s14], [sflag:$0x2] =	stream.indirect.gather [hbm4b:s1+s12], $0x80, s8, s12, $0xb8;
	[tilespmem:$0x1D800] =	vst v63  }
0x260: {  	_ =	swait.ge [sflag:s15], $0x2800  }
0x261: {  	s9 =	sld [smem:$0x7F0]  }
0x262: {  	[sflag:s15] =	ssyncset.done $0x0  }
0x263: {  	[sflag:s15] =	ssyncadd.s32 $0xFFFFD800  }
0x264: {  	[spmem:s4] =	stream.indirect.scatter.add.f32 [tilespmem:s13], [sflag:$0x4], $0x80, s9, s12, $0xb8;
	[tilespmem:$0x1D800] =	vst v63  }
0x265: {  	_ =	swait.ge [sflag:s21], $0x2800  }
0x266: {  	s7 =	sld [smem:$0x7F1]  }
0x267: {  	[sflag:s21] =	ssyncset.done $0x0  }
0x268: {  	[sflag:s21] =	ssyncadd.s32 $0xFFFFD800  }
0x269: {  	[tilespmem:s16], [sflag:$0x3] =	stream.indirect.gather [hbm4b:s1+s12], $0x80, s7, s12, $0xb8;
	[tilespmem:$0x1D800] =	vst v63  }
0x26a: {  	_ =	swait.ge [sflag:s17], $0x2800  }
0x26b: {  	s8 =	sld [smem:$0x7F2]  }
0x26c: {  	[sflag:s17] =	ssyncset.done $0x0  }
0x26d: {  	[sflag:s17] =	ssyncadd.s32 $0xFFFFD800  }
0x26e: {  	[spmem:s4] =	stream.indirect.scatter.add.f32 [tilespmem:s14], [sflag:$0x5], $0x80, s8, s12, $0xb8;
	[tilespmem:$0x1D800] =	vst v63  }
0x26f: {  	_ =	swait.ge [sflag:s18], $0x2800  }
0x270: {  	s9 =	sld [smem:$0x7F3]  }
0x271: {  	[sflag:s18] =	ssyncset.done $0x0  }
0x272: {  	[sflag:s18] =	ssyncadd.s32 $0xFFFFD800  }
0x273: {  	[tilespmem:s13], [sflag:$0x1] =	stream.indirect.gather [hbm4b:s1+s12], $0x80, s9, s12, $0xb8;
	[tilespmem:$0x1D800] =	vst v63  }
0x274: {  	_ =	swait.ge [sflag:s19], $0x2800  }
0x275: {  	s7 =	sld [smem:$0x7F4]  }
0x276: {  	[sflag:s19] =	ssyncset.done $0x0  }
0x277: {  	[sflag:s19] =	ssyncadd.s32 $0xFFFFD800  }
0x278: {  	[spmem:s4] =	stream.indirect.scatter.add.f32 [tilespmem:s16], [sflag:$0x6], $0x80, s7, s12, $0xb8;
	[tilespmem:$0x1D800] =	vst v63  }
0x279: {  	_ =	swait.ge [sflag:s20], $0x2800  }
0x27a: {  	s8 =	sld [smem:$0x7F5]  }
0x27b: {  	[sflag:s20] =	ssyncset.done $0x0  }
0x27c: {  	[sflag:s20] =	ssyncadd.s32 $0xFFFFD800  }
0x27d: {  	[tilespmem:s14], [sflag:$0x2] =	stream.indirect.gather [hbm4b:s1+s12], $0x80, s8, s12, $0xb8;
	[tilespmem:$0x1D800] =	vst v63  }
0x27e: {  	_ =	swait.ge [sflag:s15], $0x2800  }
0x27f: {  	s9 =	sld [smem:$0x7F6]  }
0x280: {  	[sflag:s15] =	ssyncset.done $0x0  }
0x281: {  	[sflag:s15] =	ssyncadd.s32 $0xFFFFD800  }
0x282: {  	[spmem:s4] =	stream.indirect.scatter.add.f32 [tilespmem:s13], [sflag:$0x4], $0x80, s9, s12, $0xb8;
	[tilespmem:$0x1D800] =	vst v63  }
0x283: {  	_ =	swait.ge [sflag:s21], $0x2800  }
0x284: {  	s7 =	sld [smem:$0x7F7]  }
0x285: {  	[sflag:s21] =	ssyncset.done $0x0  }
0x286: {  	[sflag:s21] =	ssyncadd.s32 $0xFFFFD800  }
0x287: {  	[tilespmem:s16], [sflag:$0x3] =	stream.indirect.gather [hbm4b:s1+s12], $0x80, s7, s12, $0xb8;
	[tilespmem:$0x1D800] =	vst v63  }
0x288: {  	_ =	swait.ge [sflag:s17], $0x2800  }
0x289: {  	s8 =	sld [smem:$0x7F8]  }
0x28a: {  	[sflag:s17] =	ssyncset.done $0x0  }
0x28b: {  	[sflag:s17] =	ssyncadd.s32 $0xFFFFD800  }
0x28c: {  	[spmem:s4] =	stream.indirect.scatter.add.f32 [tilespmem:s14], [sflag:$0x5], $0x80, s8, s12, $0xb8;
	[tilespmem:$0x1D800] =	vst v63  }
0x28d: {  	_ =	swait.ge [sflag:s18], $0x2800  }
0x28e: {  	s9 =	sld [smem:$0x7F9]  }
0x28f: {  	[sflag:s18] =	ssyncset.done $0x0  }
0x290: {  	[sflag:s18] =	ssyncadd.s32 $0xFFFFD800  }
0x291: {  	[tilespmem:s13], [sflag:$0x1] =	stream.indirect.gather [hbm4b:s1+s12], $0x80, s9, s12, $0xb8;
	[tilespmem:$0x1D800] =	vst v63  }
0x292: {  	_ =	swait.ge [sflag:s19], $0x2800  }
0x293: {  	s7 =	sld [smem:$0x7FA]  }
0x294: {  	[sflag:s19] =	ssyncset.done $0x0  }
0x295: {  	[sflag:s19] =	ssyncadd.s32 $0xFFFFD800  }
0x296: {  	[spmem:s4] =	stream.indirect.scatter.add.f32 [tilespmem:s16], [sflag:$0x6], $0x80, s7, s12, $0xb8;
	[tilespmem:$0x1D800] =	vst v63  }
0x297: {  	_ =	swait.ge [sflag:s20], $0x2800  }
0x298: {  	s8 =	sld [smem:$0x7FB]  }
0x299: {  	[sflag:s20] =	ssyncset.done $0x0  }
0x29a: {  	[sflag:s20] =	ssyncadd.s32 $0xFFFFD800  }
0x29b: {  	[tilespmem:s14], [sflag:$0x2] =	stream.indirect.gather [hbm4b:s1+s12], $0x80, s8, s12, $0xb8;
	[tilespmem:$0x1D800] =	vst v63  }
0x29c: {  	_ =	swait.ge [sflag:s15], $0x2800  }
0x29d: {  	[sflag:s15] =	ssyncset.done $0x0  }
0x29e: {  	[sflag:s15] =	ssyncadd.s32 $0xFFFFD800  }
0x29f: {  	[spmem:s4] =	stream.indirect.scatter.add.f32 [tilespmem:s13], [sflag:$0x4], $0x80, s22, s12, $0xb8;
	[tilespmem:$0x1D800] =	vst v63  }
0x2a0: {  	_ =	swait.ge [sflag:s21], $0x2800  }
0x2a1: {  	[sflag:s21] =	ssyncset.done $0x0  }
0x2a2: {  	[sflag:s21] =	ssyncadd.s32 $0xFFFFD800  }
0x2a3: {  	[tilespmem:s16], [sflag:$0x3] =	stream.indirect.gather [hbm4b:s1+s12], $0x80, s23, s12, $0xb8;
	[tilespmem:$0x1D800] =	vst v63  }
0x2a4: {  	_ =	swait.ge [sflag:s17], $0x2800  }
0x2a5: {  	[sflag:s17] =	ssyncset.done $0x0  }
0x2a6: {  	[sflag:s17] =	ssyncadd.s32 $0xFFFFD800  }
0x2a7: {  	[spmem:s4] =	stream.indirect.scatter.add.f32 [tilespmem:s14], [sflag:$0x5], $0x80, s24, s12, $0xb8;
	[tilespmem:$0x1D800] =	vst v63  }
0x2a8: {  	_ =	swait.ge [sflag:s18], $0x2800  }
0x2a9: {  	[sflag:s18] =	ssyncset.done $0x0  }
0x2aa: {  	[sflag:s18] =	ssyncadd.s32 $0xFFFFD800  }
0x2ab: {  	[tilespmem:s13], [sflag:$0x1] =	stream.indirect.gather [hbm4b:s1+s12], $0x80, s25, s12, $0xb8;
	[tilespmem:$0x1D800] =	vst v63  }
0x2ac: {  	_ =	swait.ge [sflag:s19], $0x2800  }
0x2ad: {  	[sflag:s19] =	ssyncset.done $0x0  }
0x2ae: {  	[sflag:s19] =	ssyncadd.s32 $0xFFFFD800  }
0x2af: {  	[spmem:s4] =	stream.indirect.scatter.add.f32 [tilespmem:s16], [sflag:$0x6], $0x80, s26, s12, $0xb8;
	[tilespmem:$0x1D800] =	vst v63  }
0x2b0: {  	_ =	swait.ge [sflag:s20], $0x2800  }
0x2b1: {  	[sflag:s20] =	ssyncset.done $0x0  }
0x2b2: {  	[sflag:s20] =	ssyncadd.s32 $0xFFFFD800  }
0x2b3: {  	[tilespmem:s14], [sflag:$0x2] =	stream.indirect.gather [hbm4b:s1+s12], $0x80, s28, s12, $0xb8;
	[tilespmem:$0x1D800] =	vst v63  }
0x2b4: {  	_ =	swait.ge [sflag:s15], $0x2800  }
0x2b5: {  	[sflag:s15] =	ssyncset.done $0x0  }
0x2b6: {  	[sflag:s15] =	ssyncadd.s32 $0xFFFFD800  }
0x2b7: {  	[spmem:s4] =	stream.indirect.scatter.add.f32 [tilespmem:s13], [sflag:$0x4], $0x80, s29, s12, $0xb8;
	[tilespmem:$0x1D800] =	vst v63  }
0x2b8: {  	_ =	swait.ge [sflag:s21], $0x2800  }
0x2b9: {  	[sflag:s21] =	ssyncset.done $0x0  }
0x2ba: {  	[sflag:s21] =	ssyncadd.s32 $0xFFFFD800  }
0x2bb: {  	[tilespmem:s16], [sflag:$0x3] =	stream.indirect.gather [hbm4b:s1+s12], $0x80, s30, s12, $0xb8;
	[tilespmem:$0x1D800] =	vst v63  }
0x2bc: {  	_ =	swait.ge [sflag:s17], $0x2800  }
0x2bd: {  	[sflag:s17] =	ssyncset.done $0x0  }
0x2be: {  	[sflag:s17] =	ssyncadd.s32 $0xFFFFD800  }
0x2bf: {  	[spmem:s4] =	stream.indirect.scatter.add.f32 [tilespmem:s14], [sflag:$0x5], $0x80, s31, s12, $0xb8;
	[tilespmem:$0x1D800] =	vst v63  }
0x2c0: {  	_ =	swait.ge [sflag:s18], $0x2800  }
0x2c1: {  	[sflag:s18] =	ssyncset.done $0x0  }
0x2c2: {  	[sflag:s18] =	ssyncadd.s32 $0xFFFFD800  }
0x2c3: {  	[tilespmem:s13], [sflag:$0x1] =	stream.indirect.gather [hbm4b:s1+s12], $0x80, s2, s12, $0xb8;
	[tilespmem:$0x1D800] =	vst v63  }
0x2c4: {  	_ =	swait.ge [sflag:s19], $0x2800  }
0x2c5: {  	[sflag:s19] =	ssyncset.done $0x0  }
0x2c6: {  	[sflag:s19] =	ssyncadd.s32 $0xFFFFD800  }
0x2c7: {  	[spmem:s4] =	stream.indirect.scatter.add.f32 [tilespmem:s16], [sflag:$0x6], $0x80, s0, s12, $0xb8;
	[tilespmem:$0x1D800] =	vst v63  }
0x2c8: {  	_ =	swait.ge [sflag:s20], $0x2800  }
0x2c9: {  	[sflag:s20] =	ssyncset.done $0x0  }
0x2ca: {  	[sflag:s20] =	ssyncadd.s32 $0xFFFFD800  }
0x2cb: {  	_ =	swait.ge [sflag:s15], $0x2800  }
0x2cc: {  	[sflag:s15] =	ssyncset.done $0x0  }
0x2cd: {  	[sflag:s15] =	ssyncadd.s32 $0xFFFFD800  }
0x2ce: {  	[spmem:s4] =	stream.indirect.scatter.add.f32 [tilespmem:s13], [sflag:$0x4], $0x80, s3, s12, $0xb8;
	[tilespmem:$0x1D800] =	vst v63  }
0x2cf: {  	_ =	swait.ge [sflag:s21], $0x2800  }
0x2d0: {  	[sflag:s21] =	ssyncset.done $0x0  }
0x2d1: {  	[sflag:s21] =	ssyncadd.s32 $0xFFFFD800  }
0x2d2: {  	_ =	swait.ge [sflag:s18], $0x2800  }
0x2d3: {  	[sflag:s18] =	ssyncset.done $0x0  }
0x2d4: {  	[sflag:s18] =	ssyncadd.s32 $0xFFFFD800  }
0x2d5: {  	[bflag:$0x0] =	sbarrier.arrive $0xFFFF  }
0x2d6: {  	s8 =	sld [smem:$0x7FC]  }
0x2d7: {  	s9 =	sld [smem:$0x7EE]  }
0x2d8: {  	s7 =	sld [smem:$0x7FD];
	_ =	sdelay $0x2  }
0x2d9: {  	[hbm:s9], [sflag:s8] =	dma.local [spmem:s7], $0x2800  }
0x2da: {  	_ =	swait.ge [sflag:s10], $0x2800  }
0x2db: {  	s6 =	sld [smem:$0x7ED];
	_ =	sdelay $0x2  }
0x2dc: {  	s9 =	sadd.s32 $0x1, s6;
	s6 =	sld [smem:$0x7EF];
	_ =	sdelay $0x2  }
0x2dd: {  	p0 =	sne.s32 s9, s6  }
.Ltmp1:
0x2de: {  	_ = 	snop;
	(pc) =	sbr.rel @p0 .LBB2_1-.Ltmp1, $3  }
0x2df: {  	_ =	sdelay $0x1  }
0x2e0: {  	[sflag:s10] =	ssyncset.done $0x0  }
0x2e1: {  	[sflag:s10] =	ssyncadd.s32 $0xFFFFD800  }
0x2e2: {  	_ =	sfence.sel $0x180000  }
0x2e3: {  	[bflag:$0x0] =	sbarrier.arrive $0xFFFF  }
0x2e4: {  	_ =	strace $0x90000047  }
0x2e5: {  	s0 =	stileid.u32;
	[bflag:$0x2] =	sbarrier.arrive $0xFFFF  }
0x2e6: {  	p0 =	sne.s32 s0, $0x0;
	s0 =	rddreg [dreg:$0x5]  }
0x2e7: {  	s0 =	sadd.s32 @!p0 $0x100000, s0  }
0x2e8: {  	[sflag:s0] =	ssyncadd.tile.s32 @!p0 $0x1;
	_ =	shalt  }
.Lfunc_end2:
_tile_overlayer_lowered:
.L_overlay_start_2:
0x2e9: {  	(tag) =	ssettag $0x2  }
0x2ea: {  	s0 =	rddreg [dreg:$0x0];
	s2 =	stileid.u32  }
0x2eb: {  	s1 =	rddreg [dreg:$0x1];
	p0 =	sne.s32 s2, $0x0  }
0x2ec: {  	s3 =	rddreg [dreg:$0x2];
	[bflag:$0x3] =	sbarrier.arrive $0xFFFF;
	s2 =	simm.s32 @!p0 $0x1C07  }
0x2ed: {  	[timem:s3], [sflag:s2] =	dma.local @!p0 [hbm:s0], s1  }
0x2ee: {  	s0 =	simm.s32 @!p0 $0x7  }
0x2ef: {  	_ =	swait.ge @!p0 [sflag:s0], s1  }
0x2f0: {  	s1 =	ssub.s32 @!p0 $0x0, s1;
	[sflag:s0] =	ssyncset.done @!p0 $0x0  }
0x2f1: {  	[sflag:s0] =	ssyncadd.s32 @!p0 s1  }
0x2f2: {  	[bflag:$0x3] =	sbarrier.arrive $0xFFFF  }
0x2f3: {  	_ =	shalt  }

</sc_bundles>
